<compile_context>
chip_gen: v7x
topology: tpu7x:2x2x1
jax: 0.10.2.dev20260603
libtpu: 0.0.44.dev20260713+nightly
codegen_flags: <defaults>
</compile_context>

<pallas_src>
import functools

import jax
import jax.numpy as jnp
from jax.experimental import pallas as pl
from jax.experimental.pallas import tpu as pltpu
from jax.experimental.pallas import tpu_sc as plsc

N = 8192
K = 16
FEAT_B = 1024
KNN_R = 512
FIN_B = 512
GW = 128

TABW = 384


def _DOT(a, b):
    return jnp.dot(a.astype(jnp.bfloat16), b.astype(jnp.bfloat16),
                   preferred_element_type=jnp.float32)


def _lrelu(x):
    return jnp.where(x >= 0, x, 0.01 * x)


def _feat_body(img_ref, cloud_ref,
               pc1w_ref, pc1b_ref, pc2w_ref, pc2b_ref,
               c1w_ref, c1b_ref, c2w_ref, c2b_ref,
               ps1w_ref, ps1b_ref, ps2w_ref, ps2b_ref,
               cf_ref, tab_ref):
    pts = cloud_ref[0]
    imgf = img_ref[0].T
    cf = _DOT(_lrelu(_DOT(pts, pc1w_ref[...]) + pc1b_ref[...]),
              pc2w_ref[...]) + pc2b_ref[...]
    sf = _DOT(_lrelu(_DOT(imgf, c1w_ref[...]) + c1b_ref[...]),
              c2w_ref[...]) + c2b_ref[...]
    sfp = _DOT(_lrelu(_DOT(cf, ps1w_ref[...]) + ps1b_ref[...]),
               ps2w_ref[...]) + ps2b_ref[...]
    cf_ref[...] = cf
    tab_ref[:, 0:128] = sf
    tab_ref[:, 128:256] = sfp
    tab_ref[:, 256:TABW] = jnp.concatenate(
        [pts, jnp.zeros((pts.shape[0], TABW - 259), jnp.float32)], axis=1)


def _features(img_feat, cloud, weights):
    full = lambda a: pl.BlockSpec(a.shape, lambda i: (0,) * a.ndim)
    wspecs = [full(w) for w in weights]
    return pl.pallas_call(
        _feat_body,
        grid=(N // FEAT_B,),
        in_specs=[
            pl.BlockSpec((1, 32, FEAT_B), lambda i: (0, 0, i)),
            pl.BlockSpec((1, FEAT_B, 3), lambda i: (0, i, 0)),
            *wspecs,
        ],
        out_specs=[
            pl.BlockSpec((FEAT_B, 128), lambda i: (i, 0)),
            pl.BlockSpec((FEAT_B, TABW), lambda i: (i, 0)),
        ],
        out_shape=[
            jax.ShapeDtypeStruct((N, 128), jnp.float32),
            jax.ShapeDtypeStruct((N, TABW), jnp.float32),
        ],
    )(img_feat, cloud, *weights)


GDEPTH = 4
GROUPS = N // 128
PARTS = 2
PART = N // PARTS


def _knn_body(cloud_ref, ptsT_ref, inds_ref, d2_ref):
    R = KNN_R
    pts = cloud_ref[0]
    ptsT = ptsT_ref[...]
    sq_all = jnp.sum(ptsT * ptsT, axis=0, keepdims=True)
    sq_blk = jnp.sum(pts * pts, axis=1, keepdims=True)
    dot = jnp.dot(pts.astype(jnp.bfloat16), ptsT.astype(jnp.bfloat16),
                  preferred_element_type=jnp.float32)
    d2 = (sq_blk + sq_all) - 2.0 * dot
    d2_ref[...] = d2.reshape(R, GROUPS, 128)

    inf = jnp.float32(jnp.inf)
    srow = jax.lax.broadcasted_iota(jnp.int32, (R, GROUPS, 128), 1)
    lane = jax.lax.broadcasted_iota(jnp.int32, (R, 128), 1)

    svs, scs = [], []
    for t in range(GDEPTH):
        d2m = d2_ref[...]
        m = jnp.min(d2m, axis=1)
        sidx = jnp.min(jnp.where(d2m == m[:, None, :], srow,
                                 jnp.int32(GROUPS)), axis=1)
        if t + 1 < GDEPTH:
            d2_ref[...] = jnp.where(srow == sidx[:, None, :], inf, d2m)
        svs.append(m)
        scs.append(sidx * 128 + lane)
    sv = jnp.concatenate(svs, axis=1)
    sc = jnp.concatenate(scs, axis=1)

    kio = jax.lax.broadcasted_iota(jnp.int32, (R, K), 1)

    def body(i, carry):
        sv, idxs = carry
        m = jnp.min(sv, axis=1, keepdims=True)
        c = jnp.min(jnp.where(sv == m, sc, jnp.int32(N)),
                    axis=1, keepdims=True)
        sv = jnp.where((sv == m) & (sc == c), inf, sv)
        return sv, jnp.where(kio == i, c, idxs)

    _, idxs = jax.lax.fori_loop(
        0, K, body, (sv, jnp.zeros((R, K), jnp.int32)))
    inds_ref[...] = idxs


def _knn(cloud, ptsT, off):
    return pl.pallas_call(
        _knn_body,
        grid=(PART // KNN_R,),
        in_specs=[
            pl.BlockSpec((1, KNN_R, 3), lambda i, off=off: (0, i + off, 0)),
            pl.BlockSpec((3, N), lambda i: (0, 0)),
        ],
        out_specs=pl.BlockSpec((KNN_R, K), lambda i: (i, 0)),
        out_shape=jax.ShapeDtypeStruct((PART, K), jnp.int32),
        scratch_shapes=[pltpu.VMEM((KNN_R, GROUPS, 128), jnp.float32)],
    )(cloud, ptsT)


def _sc_gather(tab, inds_flat):
    mesh = plsc.VectorSubcoreMesh(core_axis_name="c", subcore_axis_name="s")
    nidx = inds_flat.shape[1]

    @functools.partial(
        pl.kernel,
        out_type=jax.ShapeDtypeStruct((nidx, TABW), jnp.float32),
        mesh=mesh,
    )
    def gk(tab_hbm, idx_hbm, out_hbm):
        def body(i_vmem, o_vmem):
            pltpu.sync_copy(tab_hbm.at[i_vmem.at[0]], o_vmem)

        pltpu.emit_pipeline(
            body,
            grid=(nidx // GW,),
            in_specs=[pl.BlockSpec((1, GW), lambda i: (0, i))],
            out_specs=[pl.BlockSpec((GW, TABW), lambda i: (i, 0))],
            core_axis_name=("c", "s"),
            dimension_semantics=(pltpu.PARALLEL,),
        )(idx_hbm, out_hbm)

    return gk(tab, inds_flat)


def _final_body(sel_ref, cloud_ref, cf_ref, img_ref,
                wp_ref, wi_ref, ws_ref, wc_ref, b_ref, out_ref):
    sel = sel_ref[...]
    sf_sel = sel[:, 0:128].reshape(FIN_B, K, 128)
    sfp_sel = sel[:, 128:256].reshape(FIN_B, K, 128)
    sel_pts = sel[:, 256:259].reshape(FIN_B, K, 3)
    pts = cloud_ref[0]
    diff = pts[:, None, :] - sel_pts
    nrm = jnp.sqrt(jnp.sum(diff * diff, axis=2))
    logits = -nrm
    mx = jnp.max(logits, axis=1, keepdims=True)
    e = jnp.exp(logits - mx)
    w = (e / jnp.sum(e, axis=1, keepdims=True))[:, :, None]
    sf_max = jnp.max(sf_sel * w, axis=1)
    sfp_max = jnp.max(sfp_sel * w, axis=1)
    imgf = img_ref[0].T
    cf = cf_ref[...]
    out = (_DOT(_lrelu(sfp_max), wp_ref[...])
           + _DOT(_lrelu(imgf), wi_ref[...])
           + _DOT(_lrelu(sf_max), ws_ref[...])
           + _DOT(_lrelu(cf), wc_ref[...])
           + b_ref[...])
    out_ref[0] = out.T


def _finalize(sel, cloud, cf, img_feat, wp_t, wi_t, ws_t, wc_t, b2d, off):
    full = lambda a: pl.BlockSpec(a.shape, lambda i: (0,) * a.ndim)
    return pl.pallas_call(
        _final_body,
        grid=(PART // FIN_B,),
        in_specs=[
            pl.BlockSpec((FIN_B * K, TABW), lambda i: (i, 0)),
            pl.BlockSpec((1, FIN_B, 3), lambda i, off=off: (0, i + off, 0)),
            pl.BlockSpec((FIN_B, 128), lambda i, off=off: (i + off, 0)),
            pl.BlockSpec((1, 32, FIN_B), lambda i, off=off: (0, 0, i + off)),
            full(wp_t), full(wi_t), full(ws_t), full(wc_t), full(b2d),
        ],
        out_specs=pl.BlockSpec((1, 32, FIN_B), lambda i: (0, 0, i)),
        out_shape=jax.ShapeDtypeStruct((1, 32, PART), jnp.float32),
    )(sel, cloud, cf, img_feat, wp_t, wi_t, ws_t, wc_t, b2d)


def kernel(img_feat, cloud, conv1_w, conv1_b, conv2_w, conv2_b,
           psconv1_w, psconv1_b, psconv2_w, psconv2_b,
           pconv1_w, pconv1_b, pconv2_w, pconv2_b,
           final_conv_w, final_conv_b):
    weights = [
        pconv1_w.T, pconv1_b.reshape(1, -1),
        pconv2_w.T, pconv2_b.reshape(1, -1),
        conv1_w.T, conv1_b.reshape(1, -1),
        conv2_w.T, conv2_b.reshape(1, -1),
        psconv1_w.T, psconv1_b.reshape(1, -1),
        psconv2_w.T, psconv2_b.reshape(1, -1),
    ]
    ptsT = jnp.transpose(cloud[0])
    cf, tab = _features(img_feat, cloud, weights)
    wp_t = final_conv_w[:, 0:128].T
    wi_t = final_conv_w[:, 128:160].T
    ws_t = final_conv_w[:, 160:288].T
    wc_t = final_conv_w[:, 288:416].T
    b2d = final_conv_b.reshape(1, -1)
    outs = []
    for h in range(PARTS):
        inds_h = _knn(cloud, ptsT, h * (PART // KNN_R))
        sel_h = _sc_gather(tab, inds_h.reshape(1, PART * K))
        outs.append(_finalize(sel_h, cloud, cf, img_feat,
                              wp_t, wi_t, ws_t, wc_t, b2d,
                              h * (PART // FIN_B)))
    return jnp.concatenate(outs, axis=2)

# --- scband reference (transcript-rebuilt; emitter-appended) ---
"""Pipeline reference for scband-pseudo3-dconv-15951508537870 (READ-ONLY COPY).

The authoritative reference and input builder live on the scoring server;
editing this copy changes nothing except your own understanding.
"""

import jax, jax.numpy as jnp
import numpy as np

TOPK = 16

def setup_inputs(seed: int = 0):
    key = jax.random.key(seed)
    ks = jax.random.split(key, 18)
    N = 8192
    inp = {}
    inp["img_feat"] = jax.random.normal(ks[0], (1, 32, N), dtype=jnp.float32)
    inp["cloud"] = jax.random.normal(ks[1], (1, N, 3), dtype=jnp.float32)
    layers = [("conv1", 64, 32), ("conv2", 128, 64), ("psconv1", 256, 128), ("psconv2", 128, 256), ("pconv1", 64, 3), ("pconv2", 128, 64), ("final_conv", 32, 416)]
    for j, (name, o, i) in enumerate(layers):
        inp[name + "_w"] = jax.random.normal(ks[2 + 2 * j], (o, i), dtype=jnp.float32) * (1.0 / np.sqrt(i))
        inp[name + "_b"] = jax.random.normal(ks[3 + 2 * j], (o,), dtype=jnp.float32) * 0.01
    return inp

def _forward(img_feat, cloud, conv1_w, conv1_b, conv2_w, conv2_b, psconv1_w, psconv1_b, psconv2_w, psconv2_b, pconv1_w, pconv1_b, pconv2_w, pconv2_b, final_conv_w, final_conv_b):
    lrelu = jax.nn.leaky_relu
    pts = cloud[0]  # (N, 3)
    sq = jnp.sum(pts * pts, axis=1)
    d2 = sq[:, None] + sq[None, :] - 2.0 * (pts @ pts.T)
    _, inds = jax.lax.top_k(-d2, TOPK)  # (N, k) nearest neighbors (incl. self)
    imgf = jnp.transpose(img_feat[0])  # (N, 32)
    # pconv1 -> leaky_relu -> pconv2 on raw coords
    cf = lrelu(pts @ pconv1_w.T + pconv1_b) @ pconv2_w.T + pconv2_b  # (N, 128)
    sel_img = jnp.take(imgf, inds, axis=0)   # (N, k, 32)
    sel_pf = jnp.take(cf, inds, axis=0)      # (N, k, 128)
    sel_pts = jnp.take(pts, inds, axis=0)    # (N, k, 3)
    w = jax.nn.softmax(-jnp.linalg.norm(pts[:, None, :] - sel_pts, axis=2), axis=1)  # (N, k)
    sf = lrelu(sel_img @ conv1_w.T + conv1_b) @ conv2_w.T + conv2_b          # (N, k, 128)
    sfp = lrelu(sel_pf @ psconv1_w.T + psconv1_b) @ psconv2_w.T + psconv2_b  # (N, k, 128)
    sf = jnp.max(sf * w[:, :, None], axis=1)    # (N, 128) weighted max-pool over k
    sfp = jnp.max(sfp * w[:, :, None], axis=1)  # (N, 128)
    final1 = jnp.concatenate([sf, cf], axis=1)      # (N, 256)
    final2 = jnp.concatenate([sfp, imgf], axis=1)   # (N, 160)
    final = jnp.concatenate([final2, final1], axis=1)  # (N, 416)
    out = lrelu(final) @ final_conv_w.T + final_conv_b  # (N, 32)
    return jnp.transpose(out)[None, :, :]  # (1, 32, N)

def reference(img_feat, cloud, conv1_w, conv1_b, conv2_w, conv2_b, psconv1_w, psconv1_b, psconv2_w, psconv2_b, pconv1_w, pconv1_b, pconv2_w, pconv2_b, final_conv_w, final_conv_b):
    return _forward(img_feat, cloud, conv1_w, conv1_b, conv2_w, conv2_b, psconv1_w, psconv1_b, psconv2_w, psconv2_b, pconv1_w, pconv1_b, pconv2_w, pconv2_b, final_conv_w, final_conv_b)

if __name__ == "__main__":
    import jax
    _d = setup_inputs()
    print(jax.jit(kernel)(*tuple(_d.values())))

</pallas_src>

<mosaic_0001>
#map = affine_map<(d0, d1) -> (0, 0)>
module attributes {stable_mosaic.version = 14 : i64} {
  func.func @gk(%arg0: i32, %arg1: i32, %arg2: memref<8192x384xf32, #tpu.memory_space<hbm>>, %arg3: memref<1x65536xi32, #tpu.memory_space<hbm>>, %arg4: memref<65536x384xf32, #tpu.memory_space<hbm>>) attributes {dimension_semantics = [#tpu.dimension_semantics<core_parallel>, #tpu.dimension_semantics<subcore_parallel>], iteration_bounds = array<i64: 2, 16>, scalar_prefetch = 0 : i64, scratch_operands = 0 : i64, tpu.core_type = #tpu.core_type<sc_vector_subcore>, window_params = [{transform_indices = #map}, {transform_indices = #map}, {transform_indices = #map}]} {
    %mul3A = arith.constant 1 : i32
    %mul3A_0 = arith.muli %arg1, %mul3A : i32
    %add3A = arith.constant 0 : i32
    %add3A_1 = arith.addi %add3A, %mul3A_0 : i32
    %mul3A_2 = arith.constant 16 : i32
    %mul3A_3 = arith.muli %arg0, %mul3A_2 : i32
    %add3A_4 = arith.addi %add3A_1, %mul3A_3 : i32
    %mul3A_5 = arith.constant 16 : i32
    %mul3A_6 = arith.muli %add3A_4, %mul3A_5 : i32
    "tpu.region"() ({
      %run_scoped3A = memref.alloca() : memref<2x1x128xi32, #tpu.memory_space<vmem>>
      %run_scoped3A_7 = tpu.sem_alloc : memref<2x!tpu.dma_semaphore, #tpu.memory_space<semaphore_mem>>
      %run_scoped3A_8 = memref.alloca() : memref<2x128x384xf32, #tpu.memory_space<vmem>>
      %run_scoped3A_9 = tpu.sem_alloc : memref<2x!tpu.dma_semaphore, #tpu.memory_space<semaphore_mem>>
      %add3A_10 = arith.constant 0 : i32
      %add3A_11 = arith.addi %add3A_10, %mul3A_6 : i32
      %select_n3A = arith.constant true
      %select_n3A_12 = arith.constant 0 : i32
      %select_n3A_13 = arith.constant -1 : i32
      %select_n3A_14 = arith.select %select_n3A, %select_n3A_13, %select_n3A_12 : i32
      %eq3A = arith.constant -1 : i32
      %eq3A_15 = arith.cmpi eq, %select_n3A_14, %eq3A : i32
      %select_n3A_16 = arith.constant 15 : i32
      %select_n3A_17 = arith.select %eq3A_15, %select_n3A_16, %select_n3A_14 : i32
      %add3A_18 = arith.addi %select_n3A_17, %mul3A_6 : i32
      %select_n3A_19 = arith.constant true
      %select_n3A_20 = arith.constant 0 : i32
      %select_n3A_21 = arith.constant 1 : i32
      %select_n3A_22 = arith.select %select_n3A_19, %select_n3A_21, %select_n3A_20 : i32
      %eq3A_23 = arith.constant 16 : i32
      %eq3A_24 = arith.cmpi eq, %select_n3A_22, %eq3A_23 : i32
      %select_n3A_25 = arith.constant 0 : i32
      %select_n3A_26 = arith.select %eq3A_24, %select_n3A_25, %select_n3A_22 : i32
      %add3A_27 = arith.addi %select_n3A_26, %mul3A_6 : i32
      %add3A_28 = arith.constant 1 : i32
      %add3A_29 = arith.addi %select_n3A_26, %add3A_28 : i32
      %select_n3A_30 = arith.constant true
      %select_n3A_31 = arith.select %select_n3A_30, %add3A_29, %select_n3A_26 : i32
      %eq3A_32 = arith.constant 16 : i32
      %eq3A_33 = arith.cmpi eq, %select_n3A_31, %eq3A_32 : i32
      %select_n3A_34 = arith.constant 0 : i32
      %select_n3A_35 = arith.select %eq3A_33, %select_n3A_34, %select_n3A_31 : i32
      %add3A_36 = arith.addi %select_n3A_35, %mul3A_6 : i32
      "tpu.trace_start"() <{level = 10 : i32, message = "ep_initialize_0"}> : () -> ()
      %rem3A = arith.constant 0 : i32
      %rem3A_37 = arith.constant 2 : i32
      %rem3A_38 = arith.remui %rem3A, %rem3A_37 : i32
      %mul3A_39 = arith.constant 128 : i32
      %mul3A_40 = arith.muli %mul3A_39, %add3A_11 : i32
      %dma_start3A = arith.constant 0 : i32
      %dma_start3A_41 = arith.constant 0 : i32
      %dma_start3A_42 = tpu.memref_slice %run_scoped3A[%rem3A_38, %dma_start3A, %dma_start3A_41] : memref<2x1x128xi32, #tpu.memory_space<vmem>> -> memref<1x1x128xi32, #tpu.memory_space<vmem>>
      %dma_start3A_43 = tpu.memref_squeeze %dma_start3A_42 : memref<1x1x128xi32, #tpu.memory_space<vmem>> -> memref<1x128xi32, #tpu.memory_space<vmem>>
      %dma_start3A_44 = arith.constant 0 : i32
      %dma_start3A_45 = tpu.memref_slice %arg3[%dma_start3A_44, %mul3A_40] : memref<1x65536xi32, #tpu.memory_space<hbm>> -> memref<1x128xi32, #tpu.memory_space<hbm>>
      %dma_start3A_46 = tpu.memref_slice %run_scoped3A_7[%rem3A_38] : memref<2x!tpu.dma_semaphore, #tpu.memory_space<semaphore_mem>> -> memref<1x!tpu.dma_semaphore, #tpu.memory_space<semaphore_mem>>
      %dma_start3A_47 = tpu.memref_squeeze %dma_start3A_46 : memref<1x!tpu.dma_semaphore, #tpu.memory_space<semaphore_mem>> -> memref<!tpu.dma_semaphore, #tpu.memory_space<semaphore_mem>>
      %dma_start3A_48 = arith.constant 0 : i32
      %dma_start3A_49 = arith.constant 0 : i32
      %dma_start3A_50 = tpu.memref_slice %run_scoped3A[%rem3A_38, %dma_start3A_48, %dma_start3A_49] : memref<2x1x128xi32, #tpu.memory_space<vmem>> -> memref<1x1x128xi32, #tpu.memory_space<vmem>>
      %dma_start3A_51 = tpu.memref_squeeze %dma_start3A_50 : memref<1x1x128xi32, #tpu.memory_space<vmem>> -> memref<1x128xi32, #tpu.memory_space<vmem>>
      %dma_start3A_52 = arith.constant 0 : i32
      %dma_start3A_53 = tpu.memref_slice %arg3[%dma_start3A_52, %mul3A_40] : memref<1x65536xi32, #tpu.memory_space<hbm>> -> memref<1x128xi32, #tpu.memory_space<hbm>>
      tpu.enqueue_dma source(%dma_start3A_53 : memref<1x128xi32, #tpu.memory_space<hbm>>) target(%dma_start3A_51 : memref<1x128xi32, #tpu.memory_space<vmem>>) target_semaphore(%dma_start3A_47 : memref<!tpu.dma_semaphore, #tpu.memory_space<semaphore_mem>>)
      %add3A_54 = arith.constant 0 : i32
      %add3A_55 = arith.constant 1 : i32
      %add3A_56 = arith.addi %add3A_54, %add3A_55 : i32
      %select_n3A_57 = arith.constant true
      %select_n3A_58 = arith.constant 0 : i32
      %select_n3A_59 = arith.select %select_n3A_57, %add3A_56, %select_n3A_58 : i32
      "tpu.trace_stop"() : () -> ()
      %scan3A = arith.constant 0 : i32
      %scan3A_60 = arith.constant 0 : i32
      %scan3A_61 = arith.constant 0 : i32
      %scan3A_62 = arith.constant 0 : i32
      %scan3A_63 = arith.constant 0 : i32
      %scan3A_64 = arith.constant 16 : i32
      %scan3A_65 = arith.addi %scan3A_63, %scan3A_64 : i32
      %scan3A_66 = arith.constant 1 : i32
      %scan3A_67:5 = scf.for %scan3A_121 = %scan3A_63 to %scan3A_65 step %scan3A_66 iter_args(%scan3A_122 = %select_n3A_59, %scan3A_123 = %scan3A, %scan3A_124 = %scan3A_60, %scan3A_125 = %scan3A_61, %scan3A_126 = %scan3A_62) -> (i32, i32, i32, i32, i32)  : i32 {
        %eq3A_127 = arith.constant 0 : i32
        %eq3A_128 = arith.cmpi eq, %scan3A_121, %eq3A_127 : i32
        %eq3A_129 = arith.constant 15 : i32
        %eq3A_130 = arith.cmpi eq, %scan3A_121, %eq3A_129 : i32
        %add3A_131 = arith.addi %scan3A_126, %mul3A_6 : i32
        %sub3A_132 = arith.constant 1 : i32
        %sub3A_133 = arith.subi %scan3A_126, %sub3A_132 : i32
        %select_n3A_134 = arith.constant true
        %select_n3A_135 = arith.select %select_n3A_134, %sub3A_133, %scan3A_126 : i32
        %eq3A_136 = arith.constant -1 : i32
        %eq3A_137 = arith.cmpi eq, %select_n3A_135, %eq3A_136 : i32
        %select_n3A_138 = arith.constant 15 : i32
        %select_n3A_139 = arith.select %eq3A_137, %select_n3A_138, %select_n3A_135 : i32
        %add3A_140 = arith.addi %select_n3A_139, %mul3A_6 : i32
        %add3A_141 = arith.constant 1 : i32
        %add3A_142 = arith.addi %scan3A_126, %add3A_141 : i32
        %select_n3A_143 = arith.constant true
        %select_n3A_144 = arith.select %select_n3A_143, %add3A_142, %scan3A_126 : i32
        %eq3A_145 = arith.constant 16 : i32
        %eq3A_146 = arith.cmpi eq, %select_n3A_144, %eq3A_145 : i32
        %select_n3A_147 = arith.constant 0 : i32
        %select_n3A_148 = arith.select %eq3A_146, %select_n3A_147, %select_n3A_144 : i32
        %add3A_149 = arith.addi %select_n3A_148, %mul3A_6 : i32
        %add3A_150 = arith.constant 1 : i32
        %add3A_151 = arith.addi %select_n3A_148, %add3A_150 : i32
        %select_n3A_152 = arith.constant true
        %select_n3A_153 = arith.select %select_n3A_152, %add3A_151, %select_n3A_148 : i32
        %eq3A_154 = arith.constant 16 : i32
        %eq3A_155 = arith.cmpi eq, %select_n3A_153, %eq3A_154 : i32
        %select_n3A_156 = arith.constant 0 : i32
        %select_n3A_157 = arith.select %eq3A_155, %select_n3A_156, %select_n3A_153 : i32
        %add3A_158 = arith.addi %select_n3A_157, %mul3A_6 : i32
        %ne3A = arith.cmpi ne, %add3A_131, %add3A_149 : i32
        %or3A = arith.constant false
        %or3A_159 = arith.ori %or3A, %ne3A : i1
        %ge3A = arith.constant 15 : i32
        %ge3A_160 = arith.cmpi sge, %scan3A_121, %ge3A : i32
        %not3A = arith.constant true
        %not3A_161 = arith.xori %ge3A_160, %not3A : i1
        %and3A = arith.andi %or3A_159, %not3A_161 : i1
        %convert_element_type3A = arith.extui %and3A : i1 to i32
        %cond3A = arith.constant 0 : i32
        %cond3A_162 = arith.cmpi ne, %convert_element_type3A, %cond3A : i32
        scf.if %cond3A_162 {
          "tpu.trace_start"() <{level = 10 : i32, message = "ep_copy_in"}> : () -> ()
          %rem3A_264 = arith.constant 2 : i32
          %rem3A_265 = arith.remui %scan3A_122, %rem3A_264 : i32
          %mul3A_266 = arith.constant 128 : i32
          %mul3A_267 = arith.muli %mul3A_266, %add3A_149 : i32
          %dma_start3A_268 = arith.constant 0 : i32
          %dma_start3A_269 = arith.constant 0 : i32
          %dma_start3A_270 = tpu.memref_slice %run_scoped3A[%rem3A_265, %dma_start3A_268, %dma_start3A_269] : memref<2x1x128xi32, #tpu.memory_space<vmem>> -> memref<1x1x128xi32, #tpu.memory_space<vmem>>
          %dma_start3A_271 = tpu.memref_squeeze %dma_start3A_270 : memref<1x1x128xi32, #tpu.memory_space<vmem>> -> memref<1x128xi32, #tpu.memory_space<vmem>>
          %dma_start3A_272 = arith.constant 0 : i32
          %dma_start3A_273 = tpu.memref_slice %arg3[%dma_start3A_272, %mul3A_267] : memref<1x65536xi32, #tpu.memory_space<hbm>> -> memref<1x128xi32, #tpu.memory_space<hbm>>
          %dma_start3A_274 = tpu.memref_slice %run_scoped3A_7[%rem3A_265] : memref<2x!tpu.dma_semaphore, #tpu.memory_space<semaphore_mem>> -> memref<1x!tpu.dma_semaphore, #tpu.memory_space<semaphore_mem>>
          %dma_start3A_275 = tpu.memref_squeeze %dma_start3A_274 : memref<1x!tpu.dma_semaphore, #tpu.memory_space<semaphore_mem>> -> memref<!tpu.dma_semaphore, #tpu.memory_space<semaphore_mem>>
          %dma_start3A_276 = arith.constant 0 : i32
          %dma_start3A_277 = arith.constant 0 : i32
          %dma_start3A_278 = tpu.memref_slice %run_scoped3A[%rem3A_265, %dma_start3A_276, %dma_start3A_277] : memref<2x1x128xi32, #tpu.memory_space<vmem>> -> memref<1x1x128xi32, #tpu.memory_space<vmem>>
          %dma_start3A_279 = tpu.memref_squeeze %dma_start3A_278 : memref<1x1x128xi32, #tpu.memory_space<vmem>> -> memref<1x128xi32, #tpu.memory_space<vmem>>
          %dma_start3A_280 = arith.constant 0 : i32
          %dma_start3A_281 = tpu.memref_slice %arg3[%dma_start3A_280, %mul3A_267] : memref<1x65536xi32, #tpu.memory_space<hbm>> -> memref<1x128xi32, #tpu.memory_space<hbm>>
          tpu.enqueue_dma source(%dma_start3A_281 : memref<1x128xi32, #tpu.memory_space<hbm>>) target(%dma_start3A_279 : memref<1x128xi32, #tpu.memory_space<vmem>>) target_semaphore(%dma_start3A_275 : memref<!tpu.dma_semaphore, #tpu.memory_space<semaphore_mem>>)
          "tpu.trace_stop"() : () -> ()
        } else {
        }
        %and3A_163 = arith.constant true
        %and3A_164 = arith.andi %and3A, %and3A_163 : i1
        %add3A_165 = arith.constant 1 : i32
        %add3A_166 = arith.addi %scan3A_122, %add3A_165 : i32
        %select_n3A_167 = arith.select %and3A_164, %add3A_166, %scan3A_122 : i32
        %ne3A_168 = arith.cmpi ne, %add3A_131, %add3A_149 : i32
        %or3A_169 = arith.constant false
        %or3A_170 = arith.ori %or3A_169, %ne3A_168 : i1
        %or3A_171 = arith.constant false
        %or3A_172 = arith.ori %or3A_170, %or3A_171 : i1
        %ge3A_173 = arith.constant 15 : i32
        %ge3A_174 = arith.cmpi sge, %scan3A_121, %ge3A_173 : i32
        %not3A_175 = arith.constant true
        %not3A_176 = arith.xori %ge3A_174, %not3A_175 : i1
        %and3A_177 = arith.andi %or3A_172, %not3A_176 : i1
        %ne3A_178 = arith.cmpi ne, %add3A_131, %add3A_140 : i32
        %or3A_179 = arith.constant false
        %or3A_180 = arith.ori %or3A_179, %ne3A_178 : i1
        %or3A_181 = arith.ori %or3A_180, %eq3A_128 : i1
        %convert_element_type3A_182 = arith.extui %or3A_181 : i1 to i32
        %cond3A_183 = arith.constant 0 : i32
        %cond3A_184 = arith.cmpi ne, %convert_element_type3A_182, %cond3A_183 : i32
        scf.if %cond3A_184 {
          "tpu.trace_start"() <{level = 10 : i32, message = "ep_wait_in"}> : () -> ()
          %mul3A_264 = arith.constant 128 : i32
          %mul3A_265 = arith.muli %mul3A_264, %add3A_131 : i32
          %rem3A_266 = arith.constant 2 : i32
          %rem3A_267 = arith.remui %scan3A_123, %rem3A_266 : i32
          %dma_wait3A_268 = arith.constant 0 : i32
          %dma_wait3A_269 = arith.constant 0 : i32
          %dma_wait3A_270 = tpu.memref_slice %run_scoped3A[%rem3A_267, %dma_wait3A_268, %dma_wait3A_269] : memref<2x1x128xi32, #tpu.memory_space<vmem>> -> memref<1x1x128xi32, #tpu.memory_space<vmem>>
          %dma_wait3A_271 = tpu.memref_squeeze %dma_wait3A_270 : memref<1x1x128xi32, #tpu.memory_space<vmem>> -> memref<1x128xi32, #tpu.memory_space<vmem>>
          %dma_wait3A_272 = arith.constant 0 : i32
          %dma_wait3A_273 = tpu.memref_slice %arg3[%dma_wait3A_272, %mul3A_265] : memref<1x65536xi32, #tpu.memory_space<hbm>> -> memref<1x128xi32, #tpu.memory_space<hbm>>
          %dma_wait3A_274 = tpu.memref_slice %run_scoped3A_7[%rem3A_267] : memref<2x!tpu.dma_semaphore, #tpu.memory_space<semaphore_mem>> -> memref<1x!tpu.dma_semaphore, #tpu.memory_space<semaphore_mem>>
          %dma_wait3A_275 = tpu.memref_squeeze %dma_wait3A_274 : memref<1x!tpu.dma_semaphore, #tpu.memory_space<semaphore_mem>> -> memref<!tpu.dma_semaphore, #tpu.memory_space<semaphore_mem>>
          %dma_wait3A_276 = arith.constant 0 : i32
          %dma_wait3A_277 = arith.constant 0 : i32
          %dma_wait3A_278 = tpu.memref_slice %run_scoped3A[%rem3A_267, %dma_wait3A_276, %dma_wait3A_277] : memref<2x1x128xi32, #tpu.memory_space<vmem>> -> memref<1x1x128xi32, #tpu.memory_space<vmem>>
          %dma_wait3A_279 = tpu.memref_squeeze %dma_wait3A_278 : memref<1x1x128xi32, #tpu.memory_space<vmem>> -> memref<1x128xi32, #tpu.memory_space<vmem>>
          %dma_wait3A_280 = arith.constant 0 : i32
          %dma_wait3A_281 = tpu.memref_slice %arg3[%dma_wait3A_280, %mul3A_265] : memref<1x65536xi32, #tpu.memory_space<hbm>> -> memref<1x128xi32, #tpu.memory_space<hbm>>
          tpu.wait_dma2 semaphore(%dma_wait3A_275 : memref<!tpu.dma_semaphore, #tpu.memory_space<semaphore_mem>>) src(%dma_wait3A_281 : memref<1x128xi32, #tpu.memory_space<hbm>>) dst(%dma_wait3A_279 : memref<1x128xi32, #tpu.memory_space<vmem>>)
          "tpu.trace_stop"() : () -> ()
        } else {
        }
        %ne3A_185 = arith.cmpi ne, %add3A_131, %add3A_140 : i32
        %or3A_186 = arith.constant false
        %or3A_187 = arith.ori %or3A_186, %ne3A_185 : i1
        %or3A_188 = arith.constant false
        %or3A_189 = arith.ori %or3A_187, %or3A_188 : i1
        %or3A_190 = arith.ori %or3A_189, %eq3A_128 : i1
        %convert_element_type3A_191 = arith.extui %or3A_190 : i1 to i32
        %cond3A_192 = arith.constant 0 : i32
        %cond3A_193 = arith.cmpi ne, %convert_element_type3A_191, %cond3A_192 : i32
        scf.if %cond3A_193 {
        } else {
        }
        %rem3A_194 = arith.constant 2 : i32
        %rem3A_195 = arith.remui %scan3A_123, %rem3A_194 : i32
        %rem3A_196 = arith.constant 2 : i32
        %rem3A_197 = arith.remui %scan3A_124, %rem3A_196 : i32
        %run_scoped3A_198 = arith.constant 0 : i32
        "tpu.trace_start"() <{level = 10 : i32, message = "ep_run_kernel"}> : () -> ()
        "tpu.region"() ({
          %run_scoped3A_264 = tpu.sem_alloc : memref<!tpu.dma_semaphore, #tpu.memory_space<semaphore_mem>>
          %dma_start3A_265 = arith.constant 0 : i32
          %dma_start3A_266 = arith.constant 0 : i32
          %dma_start3A_267 = tpu.memref_slice %run_scoped3A_8[%rem3A_197, %dma_start3A_265, %dma_start3A_266] : memref<2x128x384xf32, #tpu.memory_space<vmem>> -> memref<1x128x384xf32, #tpu.memory_space<vmem>>
          %dma_start3A_268 = tpu.memref_squeeze %dma_start3A_267 : memref<1x128x384xf32, #tpu.memory_space<vmem>> -> memref<128x384xf32, #tpu.memory_space<vmem>>
          %dma_start3A_269 = arith.constant 0 : i32
          %dma_start3A_270 = arith.constant 0 : i32
          %dma_start3A_271 = tpu.memref_slice %run_scoped3A[%rem3A_195, %dma_start3A_269, %dma_start3A_270] : memref<2x1x128xi32, #tpu.memory_space<vmem>> -> memref<1x1x128xi32, #tpu.memory_space<vmem>>
          %dma_start3A_272 = tpu.memref_squeeze %dma_start3A_271 : memref<1x1x128xi32, #tpu.memory_space<vmem>> -> memref<1x128xi32, #tpu.memory_space<vmem>>
          %dma_start3A_273 = arith.constant 0 : i32
          %dma_start3A_274 = tpu.memref_slice %dma_start3A_272[%run_scoped3A_198, %dma_start3A_273] : memref<1x128xi32, #tpu.memory_space<vmem>> -> memref<1x128xi32, #tpu.memory_space<vmem>>
          %dma_start3A_275 = tpu.memref_squeeze %dma_start3A_274 : memref<1x128xi32, #tpu.memory_space<vmem>> -> memref<128xi32, #tpu.memory_space<vmem>>
          %dma_start3A_276 = arith.constant 0 : i32
          %dma_start3A_277 = arith.constant 0 : i32
          %dma_start3A_278 = tpu.memref_slice %arg2[%dma_start3A_276, %dma_start3A_277] : memref<8192x384xf32, #tpu.memory_space<hbm>> -> memref<8192x384xf32, #tpu.memory_space<hbm>>
          tpu.enqueue_indirect_dma source(%dma_start3A_278 : memref<8192x384xf32, #tpu.memory_space<hbm>>) target(%dma_start3A_268 : memref<128x384xf32, #tpu.memory_space<vmem>>) offsets(%dma_start3A_275 : memref<128xi32, #tpu.memory_space<vmem>>) semaphore(%run_scoped3A_264 : memref<!tpu.dma_semaphore, #tpu.memory_space<semaphore_mem>>)
          %dma_wait3A_279 = arith.constant 0 : i32
          %dma_wait3A_280 = arith.constant 0 : i32
          %dma_wait3A_281 = tpu.memref_slice %run_scoped3A_8[%rem3A_197, %dma_wait3A_279, %dma_wait3A_280] : memref<2x128x384xf32, #tpu.memory_space<vmem>> -> memref<1x128x384xf32, #tpu.memory_space<vmem>>
          %dma_wait3A_282 = tpu.memref_squeeze %dma_wait3A_281 : memref<1x128x384xf32, #tpu.memory_space<vmem>> -> memref<128x384xf32, #tpu.memory_space<vmem>>
          %dma_wait3A_283 = arith.constant 0 : i32
          %dma_wait3A_284 = arith.constant 0 : i32
          %dma_wait3A_285 = tpu.memref_slice %run_scoped3A[%rem3A_195, %dma_wait3A_283, %dma_wait3A_284] : memref<2x1x128xi32, #tpu.memory_space<vmem>> -> memref<1x1x128xi32, #tpu.memory_space<vmem>>
          %dma_wait3A_286 = tpu.memref_squeeze %dma_wait3A_285 : memref<1x1x128xi32, #tpu.memory_space<vmem>> -> memref<1x128xi32, #tpu.memory_space<vmem>>
          %dma_wait3A_287 = arith.constant 0 : i32
          %dma_wait3A_288 = tpu.memref_slice %dma_wait3A_286[%run_scoped3A_198, %dma_wait3A_287] : memref<1x128xi32, #tpu.memory_space<vmem>> -> memref<1x128xi32, #tpu.memory_space<vmem>>
          %dma_wait3A_289 = tpu.memref_squeeze %dma_wait3A_288 : memref<1x128xi32, #tpu.memory_space<vmem>> -> memref<128xi32, #tpu.memory_space<vmem>>
          %dma_wait3A_290 = arith.constant 0 : i32
          %dma_wait3A_291 = arith.constant 0 : i32
          %dma_wait3A_292 = tpu.memref_slice %arg2[%dma_wait3A_290, %dma_wait3A_291] : memref<8192x384xf32, #tpu.memory_space<hbm>> -> memref<8192x384xf32, #tpu.memory_space<hbm>>
          tpu.wait_indirect_dma semaphore(%run_scoped3A_264 : memref<!tpu.dma_semaphore, #tpu.memory_space<semaphore_mem>>) src(%dma_wait3A_292 : memref<8192x384xf32, #tpu.memory_space<hbm>>) dst(%dma_wait3A_282 : memref<128x384xf32, #tpu.memory_space<vmem>>)
          tpu.yield
        }) : () -> ()
        "tpu.trace_stop"() : () -> ()
        %ne3A_199 = arith.cmpi ne, %add3A_131, %add3A_149 : i32
        %or3A_200 = arith.constant false
        %or3A_201 = arith.ori %or3A_200, %ne3A_199 : i1
        %or3A_202 = arith.ori %or3A_201, %eq3A_130 : i1
        %convert_element_type3A_203 = arith.extui %or3A_202 : i1 to i32
        %cond3A_204 = arith.constant 0 : i32
        %cond3A_205 = arith.cmpi ne, %convert_element_type3A_203, %cond3A_204 : i32
        scf.if %cond3A_205 {
        } else {
        }
        %and3A_206 = arith.constant false
        %and3A_207 = arith.andi %or3A_202, %and3A_206 : i1
        %ne3A_208 = arith.cmpi ne, %add3A_131, %add3A_149 : i32
        %or3A_209 = arith.constant false
        %or3A_210 = arith.ori %or3A_209, %ne3A_208 : i1
        %or3A_211 = arith.constant false
        %or3A_212 = arith.ori %or3A_210, %or3A_211 : i1
        %or3A_213 = arith.ori %or3A_212, %eq3A_130 : i1
        %convert_element_type3A_214 = arith.extui %or3A_213 : i1 to i32
        %cond3A_215 = arith.constant 0 : i32
        %cond3A_216 = arith.cmpi ne, %convert_element_type3A_214, %cond3A_215 : i32
        scf.if %cond3A_216 {
          "tpu.trace_start"() <{level = 10 : i32, message = "ep_copy_out"}> : () -> ()
          %rem3A_264 = arith.constant 2 : i32
          %rem3A_265 = arith.remui %scan3A_124, %rem3A_264 : i32
          %mul3A_266 = arith.constant 128 : i32
          %mul3A_267 = arith.muli %mul3A_266, %add3A_131 : i32
          %dma_start3A_268 = arith.constant 0 : i32
          %dma_start3A_269 = arith.constant 0 : i32
          %dma_start3A_270 = tpu.memref_slice %run_scoped3A_8[%rem3A_265, %dma_start3A_268, %dma_start3A_269] : memref<2x128x384xf32, #tpu.memory_space<vmem>> -> memref<1x128x384xf32, #tpu.memory_space<vmem>>
          %dma_start3A_271 = tpu.memref_squeeze %dma_start3A_270 : memref<1x128x384xf32, #tpu.memory_space<vmem>> -> memref<128x384xf32, #tpu.memory_space<vmem>>
          %dma_start3A_272 = arith.constant 0 : i32
          %dma_start3A_273 = tpu.memref_slice %arg4[%mul3A_267, %dma_start3A_272] : memref<65536x384xf32, #tpu.memory_space<hbm>> -> memref<128x384xf32, #tpu.memory_space<hbm>>
          %dma_start3A_274 = tpu.memref_slice %run_scoped3A_9[%rem3A_265] : memref<2x!tpu.dma_semaphore, #tpu.memory_space<semaphore_mem>> -> memref<1x!tpu.dma_semaphore, #tpu.memory_space<semaphore_mem>>
          %dma_start3A_275 = tpu.memref_squeeze %dma_start3A_274 : memref<1x!tpu.dma_semaphore, #tpu.memory_space<semaphore_mem>> -> memref<!tpu.dma_semaphore, #tpu.memory_space<semaphore_mem>>
          %dma_start3A_276 = arith.constant 0 : i32
          %dma_start3A_277 = tpu.memref_slice %arg4[%mul3A_267, %dma_start3A_276] : memref<65536x384xf32, #tpu.memory_space<hbm>> -> memref<128x384xf32, #tpu.memory_space<hbm>>
          %dma_start3A_278 = arith.constant 0 : i32
          %dma_start3A_279 = arith.constant 0 : i32
          %dma_start3A_280 = tpu.memref_slice %run_scoped3A_8[%rem3A_265, %dma_start3A_278, %dma_start3A_279] : memref<2x128x384xf32, #tpu.memory_space<vmem>> -> memref<1x128x384xf32, #tpu.memory_space<vmem>>
          %dma_start3A_281 = tpu.memref_squeeze %dma_start3A_280 : memref<1x128x384xf32, #tpu.memory_space<vmem>> -> memref<128x384xf32, #tpu.memory_space<vmem>>
          tpu.enqueue_dma source(%dma_start3A_281 : memref<128x384xf32, #tpu.memory_space<vmem>>) target(%dma_start3A_277 : memref<128x384xf32, #tpu.memory_space<hbm>>) target_semaphore(%dma_start3A_275 : memref<!tpu.dma_semaphore, #tpu.memory_space<semaphore_mem>>)
          "tpu.trace_stop"() : () -> ()
        } else {
        }
        %and3A_217 = arith.constant true
        %and3A_218 = arith.andi %or3A_213, %and3A_217 : i1
        %add3A_219 = arith.constant 1 : i32
        %add3A_220 = arith.addi %scan3A_124, %add3A_219 : i32
        %select_n3A_221 = arith.select %and3A_218, %add3A_220, %scan3A_124 : i32
        %ne3A_222 = arith.cmpi ne, %add3A_131, %add3A_140 : i32
        %or3A_223 = arith.constant false
        %or3A_224 = arith.ori %or3A_223, %ne3A_222 : i1
        %not3A_225 = arith.constant true
        %not3A_226 = arith.xori %eq3A_128, %not3A_225 : i1
        %and3A_227 = arith.andi %or3A_224, %not3A_226 : i1
        %convert_element_type3A_228 = arith.extui %and3A_227 : i1 to i32
        %cond3A_229 = arith.constant 0 : i32
        %cond3A_230 = arith.cmpi ne, %convert_element_type3A_228, %cond3A_229 : i32
        scf.if %cond3A_230 {
        } else {
        }
        %and3A_231 = arith.constant false
        %and3A_232 = arith.andi %and3A_227, %and3A_231 : i1
        %ne3A_233 = arith.cmpi ne, %add3A_131, %add3A_140 : i32
        %or3A_234 = arith.constant false
        %or3A_235 = arith.ori %or3A_234, %ne3A_233 : i1
        %or3A_236 = arith.constant false
        %or3A_237 = arith.ori %or3A_235, %or3A_236 : i1
        %not3A_238 = arith.constant true
        %not3A_239 = arith.xori %eq3A_128, %not3A_238 : i1
        %and3A_240 = arith.andi %or3A_237, %not3A_239 : i1
        %convert_element_type3A_241 = arith.extui %and3A_240 : i1 to i32
        %cond3A_242 = arith.constant 0 : i32
        %cond3A_243 = arith.cmpi ne, %convert_element_type3A_241, %cond3A_242 : i32
        scf.if %cond3A_243 {
          "tpu.trace_start"() <{level = 10 : i32, message = "ep_wait_out"}> : () -> ()
          %rem3A_264 = arith.constant 2 : i32
          %rem3A_265 = arith.remui %scan3A_125, %rem3A_264 : i32
          %mul3A_266 = arith.constant 128 : i32
          %mul3A_267 = arith.muli %mul3A_266, %add3A_140 : i32
          %dma_wait3A_268 = arith.constant 0 : i32
          %dma_wait3A_269 = arith.constant 0 : i32
          %dma_wait3A_270 = tpu.memref_slice %run_scoped3A_8[%rem3A_265, %dma_wait3A_268, %dma_wait3A_269] : memref<2x128x384xf32, #tpu.memory_space<vmem>> -> memref<1x128x384xf32, #tpu.memory_space<vmem>>
          %dma_wait3A_271 = tpu.memref_squeeze %dma_wait3A_270 : memref<1x128x384xf32, #tpu.memory_space<vmem>> -> memref<128x384xf32, #tpu.memory_space<vmem>>
          %dma_wait3A_272 = arith.constant 0 : i32
          %dma_wait3A_273 = tpu.memref_slice %arg4[%mul3A_267, %dma_wait3A_272] : memref<65536x384xf32, #tpu.memory_space<hbm>> -> memref<128x384xf32, #tpu.memory_space<hbm>>
          %dma_wait3A_274 = tpu.memref_slice %run_scoped3A_9[%rem3A_265] : memref<2x!tpu.dma_semaphore, #tpu.memory_space<semaphore_mem>> -> memref<1x!tpu.dma_semaphore, #tpu.memory_space<semaphore_mem>>
          %dma_wait3A_275 = tpu.memref_squeeze %dma_wait3A_274 : memref<1x!tpu.dma_semaphore, #tpu.memory_space<semaphore_mem>> -> memref<!tpu.dma_semaphore, #tpu.memory_space<semaphore_mem>>
          %dma_wait3A_276 = arith.constant 0 : i32
          %dma_wait3A_277 = tpu.memref_slice %arg4[%mul3A_267, %dma_wait3A_276] : memref<65536x384xf32, #tpu.memory_space<hbm>> -> memref<128x384xf32, #tpu.memory_space<hbm>>
          %dma_wait3A_278 = arith.constant 0 : i32
          %dma_wait3A_279 = arith.constant 0 : i32
          %dma_wait3A_280 = tpu.memref_slice %run_scoped3A_8[%rem3A_265, %dma_wait3A_278, %dma_wait3A_279] : memref<2x128x384xf32, #tpu.memory_space<vmem>> -> memref<1x128x384xf32, #tpu.memory_space<vmem>>
          %dma_wait3A_281 = tpu.memref_squeeze %dma_wait3A_280 : memref<1x128x384xf32, #tpu.memory_space<vmem>> -> memref<128x384xf32, #tpu.memory_space<vmem>>
          tpu.wait_dma2 semaphore(%dma_wait3A_275 : memref<!tpu.dma_semaphore, #tpu.memory_space<semaphore_mem>>) src(%dma_wait3A_281 : memref<128x384xf32, #tpu.memory_space<vmem>>) dst(%dma_wait3A_277 : memref<128x384xf32, #tpu.memory_space<hbm>>)
          "tpu.trace_stop"() : () -> ()
        } else {
        }
        %and3A_244 = arith.constant true
        %and3A_245 = arith.andi %and3A_240, %and3A_244 : i1
        %add3A_246 = arith.constant 1 : i32
        %add3A_247 = arith.addi %scan3A_125, %add3A_246 : i32
        %select_n3A_248 = arith.select %and3A_245, %add3A_247, %scan3A_125 : i32
        %ne3A_249 = arith.cmpi ne, %add3A_131, %add3A_149 : i32
        %or3A_250 = arith.constant false
        %or3A_251 = arith.ori %or3A_250, %ne3A_249 : i1
        %or3A_252 = arith.ori %or3A_251, %eq3A_130 : i1
        %add3A_253 = arith.constant 1 : i32
        %add3A_254 = arith.addi %scan3A_123, %add3A_253 : i32
        %select_n3A_255 = arith.select %or3A_252, %add3A_254, %scan3A_123 : i32
        %add3A_256 = arith.constant 1 : i32
        %add3A_257 = arith.addi %scan3A_126, %add3A_256 : i32
        %select_n3A_258 = arith.constant true
        %select_n3A_259 = arith.select %select_n3A_258, %add3A_257, %scan3A_126 : i32
        %eq3A_260 = arith.constant 16 : i32
        %eq3A_261 = arith.cmpi eq, %select_n3A_259, %eq3A_260 : i32
        %select_n3A_262 = arith.constant 0 : i32
        %select_n3A_263 = arith.select %eq3A_261, %select_n3A_262, %select_n3A_259 : i32
        scf.yield %select_n3A_167, %select_n3A_255, %select_n3A_221, %select_n3A_248, %select_n3A_263 : i32, i32, i32, i32, i32
      }
      %scan3A_68 = arith.constant 16 : i32
      %sub3A = arith.constant 1 : i32
      %sub3A_69 = arith.subi %scan3A_67#4, %sub3A : i32
      %select_n3A_70 = arith.constant true
      %select_n3A_71 = arith.select %select_n3A_70, %sub3A_69, %scan3A_67#4 : i32
      %eq3A_72 = arith.constant -1 : i32
      %eq3A_73 = arith.cmpi eq, %select_n3A_71, %eq3A_72 : i32
      %select_n3A_74 = arith.constant 15 : i32
      %select_n3A_75 = arith.select %eq3A_73, %select_n3A_74, %select_n3A_71 : i32
      %add3A_76 = arith.addi %select_n3A_75, %mul3A_6 : i32
      %sub3A_77 = arith.constant 1 : i32
      %sub3A_78 = arith.subi %select_n3A_75, %sub3A_77 : i32
      %select_n3A_79 = arith.constant true
      %select_n3A_80 = arith.select %select_n3A_79, %sub3A_78, %select_n3A_75 : i32
      %eq3A_81 = arith.constant -1 : i32
      %eq3A_82 = arith.cmpi eq, %select_n3A_80, %eq3A_81 : i32
      %select_n3A_83 = arith.constant 15 : i32
      %select_n3A_84 = arith.select %eq3A_82, %select_n3A_83, %select_n3A_80 : i32
      %add3A_85 = arith.addi %select_n3A_84, %mul3A_6 : i32
      %add3A_86 = arith.constant 1 : i32
      %add3A_87 = arith.addi %select_n3A_75, %add3A_86 : i32
      %select_n3A_88 = arith.constant true
      %select_n3A_89 = arith.select %select_n3A_88, %add3A_87, %select_n3A_75 : i32
      %eq3A_90 = arith.constant 16 : i32
      %eq3A_91 = arith.cmpi eq, %select_n3A_89, %eq3A_90 : i32
      %select_n3A_92 = arith.constant 0 : i32
      %select_n3A_93 = arith.select %eq3A_91, %select_n3A_92, %select_n3A_89 : i32
      %add3A_94 = arith.addi %select_n3A_93, %mul3A_6 : i32
      %add3A_95 = arith.constant 1 : i32
      %add3A_96 = arith.addi %select_n3A_93, %add3A_95 : i32
      %select_n3A_97 = arith.constant true
      %select_n3A_98 = arith.select %select_n3A_97, %add3A_96, %select_n3A_93 : i32
      %eq3A_99 = arith.constant 16 : i32
      %eq3A_100 = arith.cmpi eq, %select_n3A_98, %eq3A_99 : i32
      %select_n3A_101 = arith.constant 0 : i32
      %select_n3A_102 = arith.select %eq3A_100, %select_n3A_101, %select_n3A_98 : i32
      %add3A_103 = arith.addi %select_n3A_102, %mul3A_6 : i32
      "tpu.trace_start"() <{level = 10 : i32, message = "ep_finalize"}> : () -> ()
      %rem3A_104 = arith.constant 2 : i32
      %rem3A_105 = arith.remui %scan3A_67#3, %rem3A_104 : i32
      %mul3A_106 = arith.constant 128 : i32
      %mul3A_107 = arith.muli %mul3A_106, %add3A_76 : i32
      %dma_wait3A = arith.constant 0 : i32
      %dma_wait3A_108 = arith.constant 0 : i32
      %dma_wait3A_109 = tpu.memref_slice %run_scoped3A_8[%rem3A_105, %dma_wait3A, %dma_wait3A_108] : memref<2x128x384xf32, #tpu.memory_space<vmem>> -> memref<1x128x384xf32, #tpu.memory_space<vmem>>
      %dma_wait3A_110 = tpu.memref_squeeze %dma_wait3A_109 : memref<1x128x384xf32, #tpu.memory_space<vmem>> -> memref<128x384xf32, #tpu.memory_space<vmem>>
      %dma_wait3A_111 = arith.constant 0 : i32
      %dma_wait3A_112 = tpu.memref_slice %arg4[%mul3A_107, %dma_wait3A_111] : memref<65536x384xf32, #tpu.memory_space<hbm>> -> memref<128x384xf32, #tpu.memory_space<hbm>>
      %dma_wait3A_113 = tpu.memref_slice %run_scoped3A_9[%rem3A_105] : memref<2x!tpu.dma_semaphore, #tpu.memory_space<semaphore_mem>> -> memref<1x!tpu.dma_semaphore, #tpu.memory_space<semaphore_mem>>
      %dma_wait3A_114 = tpu.memref_squeeze %dma_wait3A_113 : memref<1x!tpu.dma_semaphore, #tpu.memory_space<semaphore_mem>> -> memref<!tpu.dma_semaphore, #tpu.memory_space<semaphore_mem>>
      %dma_wait3A_115 = arith.constant 0 : i32
      %dma_wait3A_116 = tpu.memref_slice %arg4[%mul3A_107, %dma_wait3A_115] : memref<65536x384xf32, #tpu.memory_space<hbm>> -> memref<128x384xf32, #tpu.memory_space<hbm>>
      %dma_wait3A_117 = arith.constant 0 : i32
      %dma_wait3A_118 = arith.constant 0 : i32
      %dma_wait3A_119 = tpu.memref_slice %run_scoped3A_8[%rem3A_105, %dma_wait3A_117, %dma_wait3A_118] : memref<2x128x384xf32, #tpu.memory_space<vmem>> -> memref<1x128x384xf32, #tpu.memory_space<vmem>>
      %dma_wait3A_120 = tpu.memref_squeeze %dma_wait3A_119 : memref<1x128x384xf32, #tpu.memory_space<vmem>> -> memref<128x384xf32, #tpu.memory_space<vmem>>
      tpu.wait_dma2 semaphore(%dma_wait3A_114 : memref<!tpu.dma_semaphore, #tpu.memory_space<semaphore_mem>>) src(%dma_wait3A_120 : memref<128x384xf32, #tpu.memory_space<vmem>>) dst(%dma_wait3A_116 : memref<128x384xf32, #tpu.memory_space<hbm>>)
      "tpu.trace_stop"() : () -> ()
      tpu.yield
    }) : () -> ()
    return
  }
}

#map = affine_map<(d0, d1) -> (0, 0)>
module attributes {stable_mosaic.version = 14 : i64} {
  func.func @gk(%arg0: i32, %arg1: i32, %arg2: memref<8192x384xf32, #tpu.memory_space<hbm>>, %arg3: memref<1x65536xi32, #tpu.memory_space<hbm>>, %arg4: memref<65536x384xf32, #tpu.memory_space<hbm>>) attributes {dimension_semantics = [#tpu.dimension_semantics<core_parallel>, #tpu.dimension_semantics<subcore_parallel>], iteration_bounds = array<i64: 2, 16>, scalar_prefetch = 0 : i64, scratch_operands = 0 : i64, tpu.core_type = #tpu.core_type<sc_vector_subcore>, window_params = [{transform_indices = #map}, {transform_indices = #map}, {transform_indices = #map}]} {
    %mul3A = arith.constant 1 : i32
    %mul3A_0 = arith.muli %arg1, %mul3A : i32
    %add3A = arith.constant 0 : i32
    %add3A_1 = arith.addi %add3A, %mul3A_0 : i32
    %mul3A_2 = arith.constant 16 : i32
    %mul3A_3 = arith.muli %arg0, %mul3A_2 : i32
    %add3A_4 = arith.addi %add3A_1, %mul3A_3 : i32
    %mul3A_5 = arith.constant 16 : i32
    %mul3A_6 = arith.muli %add3A_4, %mul3A_5 : i32
    "tpu.region"() ({
      %run_scoped3A = memref.alloca() : memref<2x1x128xi32, #tpu.memory_space<vmem>>
      %run_scoped3A_7 = tpu.sem_alloc : memref<2x!tpu.dma_semaphore, #tpu.memory_space<semaphore_mem>>
      %run_scoped3A_8 = memref.alloca() : memref<2x128x384xf32, #tpu.memory_space<vmem>>
      %run_scoped3A_9 = tpu.sem_alloc : memref<2x!tpu.dma_semaphore, #tpu.memory_space<semaphore_mem>>
      %add3A_10 = arith.constant 0 : i32
      %add3A_11 = arith.addi %add3A_10, %mul3A_6 : i32
      %select_n3A = arith.constant true
      %select_n3A_12 = arith.constant 0 : i32
      %select_n3A_13 = arith.constant -1 : i32
      %select_n3A_14 = arith.select %select_n3A, %select_n3A_13, %select_n3A_12 : i32
      %eq3A = arith.constant -1 : i32
      %eq3A_15 = arith.cmpi eq, %select_n3A_14, %eq3A : i32
      %select_n3A_16 = arith.constant 15 : i32
      %select_n3A_17 = arith.select %eq3A_15, %select_n3A_16, %select_n3A_14 : i32
      %add3A_18 = arith.addi %select_n3A_17, %mul3A_6 : i32
      %select_n3A_19 = arith.constant true
      %select_n3A_20 = arith.constant 0 : i32
      %select_n3A_21 = arith.constant 1 : i32
      %select_n3A_22 = arith.select %select_n3A_19, %select_n3A_21, %select_n3A_20 : i32
      %eq3A_23 = arith.constant 16 : i32
      %eq3A_24 = arith.cmpi eq, %select_n3A_22, %eq3A_23 : i32
      %select_n3A_25 = arith.constant 0 : i32
      %select_n3A_26 = arith.select %eq3A_24, %select_n3A_25, %select_n3A_22 : i32
      %add3A_27 = arith.addi %select_n3A_26, %mul3A_6 : i32
      %add3A_28 = arith.constant 1 : i32
      %add3A_29 = arith.addi %select_n3A_26, %add3A_28 : i32
      %select_n3A_30 = arith.constant true
      %select_n3A_31 = arith.select %select_n3A_30, %add3A_29, %select_n3A_26 : i32
      %eq3A_32 = arith.constant 16 : i32
      %eq3A_33 = arith.cmpi eq, %select_n3A_31, %eq3A_32 : i32
      %select_n3A_34 = arith.constant 0 : i32
      %select_n3A_35 = arith.select %eq3A_33, %select_n3A_34, %select_n3A_31 : i32
      %add3A_36 = arith.addi %select_n3A_35, %mul3A_6 : i32
      "tpu.trace_start"() <{level = 10 : i32, message = "ep_initialize_0"}> : () -> ()
      %rem3A = arith.constant 0 : i32
      %rem3A_37 = arith.constant 2 : i32
      %rem3A_38 = arith.remui %rem3A, %rem3A_37 : i32
      %mul3A_39 = arith.constant 128 : i32
      %mul3A_40 = arith.muli %mul3A_39, %add3A_11 : i32
      %dma_start3A = arith.constant 0 : i32
      %dma_start3A_41 = arith.constant 0 : i32
      %dma_start3A_42 = tpu.memref_slice %run_scoped3A[%rem3A_38, %dma_start3A, %dma_start3A_41] : memref<2x1x128xi32, #tpu.memory_space<vmem>> -> memref<1x1x128xi32, #tpu.memory_space<vmem>>
      %dma_start3A_43 = tpu.memref_squeeze %dma_start3A_42 : memref<1x1x128xi32, #tpu.memory_space<vmem>> -> memref<1x128xi32, #tpu.memory_space<vmem>>
      %dma_start3A_44 = arith.constant 0 : i32
      %dma_start3A_45 = tpu.memref_slice %arg3[%dma_start3A_44, %mul3A_40] : memref<1x65536xi32, #tpu.memory_space<hbm>> -> memref<1x128xi32, #tpu.memory_space<hbm>>
      %dma_start3A_46 = tpu.memref_slice %run_scoped3A_7[%rem3A_38] : memref<2x!tpu.dma_semaphore, #tpu.memory_space<semaphore_mem>> -> memref<1x!tpu.dma_semaphore, #tpu.memory_space<semaphore_mem>>
      %dma_start3A_47 = tpu.memref_squeeze %dma_start3A_46 : memref<1x!tpu.dma_semaphore, #tpu.memory_space<semaphore_mem>> -> memref<!tpu.dma_semaphore, #tpu.memory_space<semaphore_mem>>
      %dma_start3A_48 = arith.constant 0 : i32
      %dma_start3A_49 = arith.constant 0 : i32
      %dma_start3A_50 = tpu.memref_slice %run_scoped3A[%rem3A_38, %dma_start3A_48, %dma_start3A_49] : memref<2x1x128xi32, #tpu.memory_space<vmem>> -> memref<1x1x128xi32, #tpu.memory_space<vmem>>
      %dma_start3A_51 = tpu.memref_squeeze %dma_start3A_50 : memref<1x1x128xi32, #tpu.memory_space<vmem>> -> memref<1x128xi32, #tpu.memory_space<vmem>>
      %dma_start3A_52 = arith.constant 0 : i32
      %dma_start3A_53 = tpu.memref_slice %arg3[%dma_start3A_52, %mul3A_40] : memref<1x65536xi32, #tpu.memory_space<hbm>> -> memref<1x128xi32, #tpu.memory_space<hbm>>
      tpu.enqueue_dma source(%dma_start3A_53 : memref<1x128xi32, #tpu.memory_space<hbm>>) target(%dma_start3A_51 : memref<1x128xi32, #tpu.memory_space<vmem>>) target_semaphore(%dma_start3A_47 : memref<!tpu.dma_semaphore, #tpu.memory_space<semaphore_mem>>)
      %add3A_54 = arith.constant 0 : i32
      %add3A_55 = arith.constant 1 : i32
      %add3A_56 = arith.addi %add3A_54, %add3A_55 : i32
      %select_n3A_57 = arith.constant true
      %select_n3A_58 = arith.constant 0 : i32
      %select_n3A_59 = arith.select %select_n3A_57, %add3A_56, %select_n3A_58 : i32
      "tpu.trace_stop"() : () -> ()
      %scan3A = arith.constant 0 : i32
      %scan3A_60 = arith.constant 0 : i32
      %scan3A_61 = arith.constant 0 : i32
      %scan3A_62 = arith.constant 0 : i32
      %scan3A_63 = arith.constant 0 : i32
      %scan3A_64 = arith.constant 16 : i32
      %scan3A_65 = arith.addi %scan3A_63, %scan3A_64 : i32
      %scan3A_66 = arith.constant 1 : i32
      %scan3A_67:5 = scf.for %scan3A_121 = %scan3A_63 to %scan3A_65 step %scan3A_66 iter_args(%scan3A_122 = %select_n3A_59, %scan3A_123 = %scan3A, %scan3A_124 = %scan3A_60, %scan3A_125 = %scan3A_61, %scan3A_126 = %scan3A_62) -> (i32, i32, i32, i32, i32)  : i32 {
        %eq3A_127 = arith.constant 0 : i32
        %eq3A_128 = arith.cmpi eq, %scan3A_121, %eq3A_127 : i32
        %eq3A_129 = arith.constant 15 : i32
        %eq3A_130 = arith.cmpi eq, %scan3A_121, %eq3A_129 : i32
        %add3A_131 = arith.addi %scan3A_126, %mul3A_6 : i32
        %sub3A_132 = arith.constant 1 : i32
        %sub3A_133 = arith.subi %scan3A_126, %sub3A_132 : i32
        %select_n3A_134 = arith.constant true
        %select_n3A_135 = arith.select %select_n3A_134, %sub3A_133, %scan3A_126 : i32
        %eq3A_136 = arith.constant -1 : i32
        %eq3A_137 = arith.cmpi eq, %select_n3A_135, %eq3A_136 : i32
        %select_n3A_138 = arith.constant 15 : i32
        %select_n3A_139 = arith.select %eq3A_137, %select_n3A_138, %select_n3A_135 : i32
        %add3A_140 = arith.addi %select_n3A_139, %mul3A_6 : i32
        %add3A_141 = arith.constant 1 : i32
        %add3A_142 = arith.addi %scan3A_126, %add3A_141 : i32
        %select_n3A_143 = arith.constant true
        %select_n3A_144 = arith.select %select_n3A_143, %add3A_142, %scan3A_126 : i32
        %eq3A_145 = arith.constant 16 : i32
        %eq3A_146 = arith.cmpi eq, %select_n3A_144, %eq3A_145 : i32
        %select_n3A_147 = arith.constant 0 : i32
        %select_n3A_148 = arith.select %eq3A_146, %select_n3A_147, %select_n3A_144 : i32
        %add3A_149 = arith.addi %select_n3A_148, %mul3A_6 : i32
        %add3A_150 = arith.constant 1 : i32
        %add3A_151 = arith.addi %select_n3A_148, %add3A_150 : i32
        %select_n3A_152 = arith.constant true
        %select_n3A_153 = arith.select %select_n3A_152, %add3A_151, %select_n3A_148 : i32
        %eq3A_154 = arith.constant 16 : i32
        %eq3A_155 = arith.cmpi eq, %select_n3A_153, %eq3A_154 : i32
        %select_n3A_156 = arith.constant 0 : i32
        %select_n3A_157 = arith.select %eq3A_155, %select_n3A_156, %select_n3A_153 : i32
        %add3A_158 = arith.addi %select_n3A_157, %mul3A_6 : i32
        %ne3A = arith.cmpi ne, %add3A_131, %add3A_149 : i32
        %or3A = arith.constant false
        %or3A_159 = arith.ori %or3A, %ne3A : i1
        %ge3A = arith.constant 15 : i32
        %ge3A_160 = arith.cmpi sge, %scan3A_121, %ge3A : i32
        %not3A = arith.constant true
        %not3A_161 = arith.xori %ge3A_160, %not3A : i1
        %and3A = arith.andi %or3A_159, %not3A_161 : i1
        %convert_element_type3A = arith.extui %and3A : i1 to i32
        %cond3A = arith.constant 0 : i32
        %cond3A_162 = arith.cmpi ne, %convert_element_type3A, %cond3A : i32
        scf.if %cond3A_162 {
          "tpu.trace_start"() <{level = 10 : i32, message = "ep_copy_in"}> : () -> ()
          %rem3A_264 = arith.constant 2 : i32
          %rem3A_265 = arith.remui %scan3A_122, %rem3A_264 : i32
          %mul3A_266 = arith.constant 128 : i32
          %mul3A_267 = arith.muli %mul3A_266, %add3A_149 : i32
          %dma_start3A_268 = arith.constant 0 : i32
          %dma_start3A_269 = arith.constant 0 : i32
          %dma_start3A_270 = tpu.memref_slice %run_scoped3A[%rem3A_265, %dma_start3A_268, %dma_start3A_269] : memref<2x1x128xi32, #tpu.memory_space<vmem>> -> memref<1x1x128xi32, #tpu.memory_space<vmem>>
          %dma_start3A_271 = tpu.memref_squeeze %dma_start3A_270 : memref<1x1x128xi32, #tpu.memory_space<vmem>> -> memref<1x128xi32, #tpu.memory_space<vmem>>
          %dma_start3A_272 = arith.constant 0 : i32
          %dma_start3A_273 = tpu.memref_slice %arg3[%dma_start3A_272, %mul3A_267] : memref<1x65536xi32, #tpu.memory_space<hbm>> -> memref<1x128xi32, #tpu.memory_space<hbm>>
          %dma_start3A_274 = tpu.memref_slice %run_scoped3A_7[%rem3A_265] : memref<2x!tpu.dma_semaphore, #tpu.memory_space<semaphore_mem>> -> memref<1x!tpu.dma_semaphore, #tpu.memory_space<semaphore_mem>>
          %dma_start3A_275 = tpu.memref_squeeze %dma_start3A_274 : memref<1x!tpu.dma_semaphore, #tpu.memory_space<semaphore_mem>> -> memref<!tpu.dma_semaphore, #tpu.memory_space<semaphore_mem>>
          %dma_start3A_276 = arith.constant 0 : i32
          %dma_start3A_277 = arith.constant 0 : i32
          %dma_start3A_278 = tpu.memref_slice %run_scoped3A[%rem3A_265, %dma_start3A_276, %dma_start3A_277] : memref<2x1x128xi32, #tpu.memory_space<vmem>> -> memref<1x1x128xi32, #tpu.memory_space<vmem>>
          %dma_start3A_279 = tpu.memref_squeeze %dma_start3A_278 : memref<1x1x128xi32, #tpu.memory_space<vmem>> -> memref<1x128xi32, #tpu.memory_space<vmem>>
          %dma_start3A_280 = arith.constant 0 : i32
          %dma_start3A_281 = tpu.memref_slice %arg3[%dma_start3A_280, %mul3A_267] : memref<1x65536xi32, #tpu.memory_space<hbm>> -> memref<1x128xi32, #tpu.memory_space<hbm>>
          tpu.enqueue_dma source(%dma_start3A_281 : memref<1x128xi32, #tpu.memory_space<hbm>>) target(%dma_start3A_279 : memref<1x128xi32, #tpu.memory_space<vmem>>) target_semaphore(%dma_start3A_275 : memref<!tpu.dma_semaphore, #tpu.memory_space<semaphore_mem>>)
          "tpu.trace_stop"() : () -> ()
        } else {
        }
        %and3A_163 = arith.constant true
        %and3A_164 = arith.andi %and3A, %and3A_163 : i1
        %add3A_165 = arith.constant 1 : i32
        %add3A_166 = arith.addi %scan3A_122, %add3A_165 : i32
        %select_n3A_167 = arith.select %and3A_164, %add3A_166, %scan3A_122 : i32
        %ne3A_168 = arith.cmpi ne, %add3A_131, %add3A_149 : i32
        %or3A_169 = arith.constant false
        %or3A_170 = arith.ori %or3A_169, %ne3A_168 : i1
        %or3A_171 = arith.constant false
        %or3A_172 = arith.ori %or3A_170, %or3A_171 : i1
        %ge3A_173 = arith.constant 15 : i32
        %ge3A_174 = arith.cmpi sge, %scan3A_121, %ge3A_173 : i32
        %not3A_175 = arith.constant true
        %not3A_176 = arith.xori %ge3A_174, %not3A_175 : i1
        %and3A_177 = arith.andi %or3A_172, %not3A_176 : i1
        %ne3A_178 = arith.cmpi ne, %add3A_131, %add3A_140 : i32
        %or3A_179 = arith.constant false
        %or3A_180 = arith.ori %or3A_179, %ne3A_178 : i1
        %or3A_181 = arith.ori %or3A_180, %eq3A_128 : i1
        %convert_element_type3A_182 = arith.extui %or3A_181 : i1 to i32
        %cond3A_183 = arith.constant 0 : i32
        %cond3A_184 = arith.cmpi ne, %convert_element_type3A_182, %cond3A_183 : i32
        scf.if %cond3A_184 {
          "tpu.trace_start"() <{level = 10 : i32, message = "ep_wait_in"}> : () -> ()
          %mul3A_264 = arith.constant 128 : i32
          %mul3A_265 = arith.muli %mul3A_264, %add3A_131 : i32
          %rem3A_266 = arith.constant 2 : i32
          %rem3A_267 = arith.remui %scan3A_123, %rem3A_266 : i32
          %dma_wait3A_268 = arith.constant 0 : i32
          %dma_wait3A_269 = arith.constant 0 : i32
          %dma_wait3A_270 = tpu.memref_slice %run_scoped3A[%rem3A_267, %dma_wait3A_268, %dma_wait3A_269] : memref<2x1x128xi32, #tpu.memory_space<vmem>> -> memref<1x1x128xi32, #tpu.memory_space<vmem>>
          %dma_wait3A_271 = tpu.memref_squeeze %dma_wait3A_270 : memref<1x1x128xi32, #tpu.memory_space<vmem>> -> memref<1x128xi32, #tpu.memory_space<vmem>>
          %dma_wait3A_272 = arith.constant 0 : i32
          %dma_wait3A_273 = tpu.memref_slice %arg3[%dma_wait3A_272, %mul3A_265] : memref<1x65536xi32, #tpu.memory_space<hbm>> -> memref<1x128xi32, #tpu.memory_space<hbm>>
          %dma_wait3A_274 = tpu.memref_slice %run_scoped3A_7[%rem3A_267] : memref<2x!tpu.dma_semaphore, #tpu.memory_space<semaphore_mem>> -> memref<1x!tpu.dma_semaphore, #tpu.memory_space<semaphore_mem>>
          %dma_wait3A_275 = tpu.memref_squeeze %dma_wait3A_274 : memref<1x!tpu.dma_semaphore, #tpu.memory_space<semaphore_mem>> -> memref<!tpu.dma_semaphore, #tpu.memory_space<semaphore_mem>>
          %dma_wait3A_276 = arith.constant 0 : i32
          %dma_wait3A_277 = arith.constant 0 : i32
          %dma_wait3A_278 = tpu.memref_slice %run_scoped3A[%rem3A_267, %dma_wait3A_276, %dma_wait3A_277] : memref<2x1x128xi32, #tpu.memory_space<vmem>> -> memref<1x1x128xi32, #tpu.memory_space<vmem>>
          %dma_wait3A_279 = tpu.memref_squeeze %dma_wait3A_278 : memref<1x1x128xi32, #tpu.memory_space<vmem>> -> memref<1x128xi32, #tpu.memory_space<vmem>>
          %dma_wait3A_280 = arith.constant 0 : i32
          %dma_wait3A_281 = tpu.memref_slice %arg3[%dma_wait3A_280, %mul3A_265] : memref<1x65536xi32, #tpu.memory_space<hbm>> -> memref<1x128xi32, #tpu.memory_space<hbm>>
          tpu.wait_dma2 semaphore(%dma_wait3A_275 : memref<!tpu.dma_semaphore, #tpu.memory_space<semaphore_mem>>) src(%dma_wait3A_281 : memref<1x128xi32, #tpu.memory_space<hbm>>) dst(%dma_wait3A_279 : memref<1x128xi32, #tpu.memory_space<vmem>>)
          "tpu.trace_stop"() : () -> ()
        } else {
        }
        %ne3A_185 = arith.cmpi ne, %add3A_131, %add3A_140 : i32
        %or3A_186 = arith.constant false
        %or3A_187 = arith.ori %or3A_186, %ne3A_185 : i1
        %or3A_188 = arith.constant false
        %or3A_189 = arith.ori %or3A_187, %or3A_188 : i1
        %or3A_190 = arith.ori %or3A_189, %eq3A_128 : i1
        %convert_element_type3A_191 = arith.extui %or3A_190 : i1 to i32
        %cond3A_192 = arith.constant 0 : i32
        %cond3A_193 = arith.cmpi ne, %convert_element_type3A_191, %cond3A_192 : i32
        scf.if %cond3A_193 {
        } else {
        }
        %rem3A_194 = arith.constant 2 : i32
        %rem3A_195 = arith.remui %scan3A_123, %rem3A_194 : i32
        %rem3A_196 = arith.constant 2 : i32
        %rem3A_197 = arith.remui %scan3A_124, %rem3A_196 : i32
        %run_scoped3A_198 = arith.constant 0 : i32
        "tpu.trace_start"() <{level = 10 : i32, message = "ep_run_kernel"}> : () -> ()
        "tpu.region"() ({
          %run_scoped3A_264 = tpu.sem_alloc : memref<!tpu.dma_semaphore, #tpu.memory_space<semaphore_mem>>
          %dma_start3A_265 = arith.constant 0 : i32
          %dma_start3A_266 = arith.constant 0 : i32
          %dma_start3A_267 = tpu.memref_slice %run_scoped3A_8[%rem3A_197, %dma_start3A_265, %dma_start3A_266] : memref<2x128x384xf32, #tpu.memory_space<vmem>> -> memref<1x128x384xf32, #tpu.memory_space<vmem>>
          %dma_start3A_268 = tpu.memref_squeeze %dma_start3A_267 : memref<1x128x384xf32, #tpu.memory_space<vmem>> -> memref<128x384xf32, #tpu.memory_space<vmem>>
          %dma_start3A_269 = arith.constant 0 : i32
          %dma_start3A_270 = arith.constant 0 : i32
          %dma_start3A_271 = tpu.memref_slice %run_scoped3A[%rem3A_195, %dma_start3A_269, %dma_start3A_270] : memref<2x1x128xi32, #tpu.memory_space<vmem>> -> memref<1x1x128xi32, #tpu.memory_space<vmem>>
          %dma_start3A_272 = tpu.memref_squeeze %dma_start3A_271 : memref<1x1x128xi32, #tpu.memory_space<vmem>> -> memref<1x128xi32, #tpu.memory_space<vmem>>
          %dma_start3A_273 = arith.constant 0 : i32
          %dma_start3A_274 = tpu.memref_slice %dma_start3A_272[%run_scoped3A_198, %dma_start3A_273] : memref<1x128xi32, #tpu.memory_space<vmem>> -> memref<1x128xi32, #tpu.memory_space<vmem>>
          %dma_start3A_275 = tpu.memref_squeeze %dma_start3A_274 : memref<1x128xi32, #tpu.memory_space<vmem>> -> memref<128xi32, #tpu.memory_space<vmem>>
          %dma_start3A_276 = arith.constant 0 : i32
          %dma_start3A_277 = arith.constant 0 : i32
          %dma_start3A_278 = tpu.memref_slice %arg2[%dma_start3A_276, %dma_start3A_277] : memref<8192x384xf32, #tpu.memory_space<hbm>> -> memref<8192x384xf32, #tpu.memory_space<hbm>>
          tpu.enqueue_indirect_dma source(%dma_start3A_278 : memref<8192x384xf32, #tpu.memory_space<hbm>>) target(%dma_start3A_268 : memref<128x384xf32, #tpu.memory_space<vmem>>) offsets(%dma_start3A_275 : memref<128xi32, #tpu.memory_space<vmem>>) semaphore(%run_scoped3A_264 : memref<!tpu.dma_semaphore, #tpu.memory_space<semaphore_mem>>)
          %dma_wait3A_279 = arith.constant 0 : i32
          %dma_wait3A_280 = arith.constant 0 : i32
          %dma_wait3A_281 = tpu.memref_slice %run_scoped3A_8[%rem3A_197, %dma_wait3A_279, %dma_wait3A_280] : memref<2x128x384xf32, #tpu.memory_space<vmem>> -> memref<1x128x384xf32, #tpu.memory_space<vmem>>
          %dma_wait3A_282 = tpu.memref_squeeze %dma_wait3A_281 : memref<1x128x384xf32, #tpu.memory_space<vmem>> -> memref<128x384xf32, #tpu.memory_space<vmem>>
          %dma_wait3A_283 = arith.constant 0 : i32
          %dma_wait3A_284 = arith.constant 0 : i32
          %dma_wait3A_285 = tpu.memref_slice %run_scoped3A[%rem3A_195, %dma_wait3A_283, %dma_wait3A_284] : memref<2x1x128xi32, #tpu.memory_space<vmem>> -> memref<1x1x128xi32, #tpu.memory_space<vmem>>
          %dma_wait3A_286 = tpu.memref_squeeze %dma_wait3A_285 : memref<1x1x128xi32, #tpu.memory_space<vmem>> -> memref<1x128xi32, #tpu.memory_space<vmem>>
          %dma_wait3A_287 = arith.constant 0 : i32
          %dma_wait3A_288 = tpu.memref_slice %dma_wait3A_286[%run_scoped3A_198, %dma_wait3A_287] : memref<1x128xi32, #tpu.memory_space<vmem>> -> memref<1x128xi32, #tpu.memory_space<vmem>>
          %dma_wait3A_289 = tpu.memref_squeeze %dma_wait3A_288 : memref<1x128xi32, #tpu.memory_space<vmem>> -> memref<128xi32, #tpu.memory_space<vmem>>
          %dma_wait3A_290 = arith.constant 0 : i32
          %dma_wait3A_291 = arith.constant 0 : i32
          %dma_wait3A_292 = tpu.memref_slice %arg2[%dma_wait3A_290, %dma_wait3A_291] : memref<8192x384xf32, #tpu.memory_space<hbm>> -> memref<8192x384xf32, #tpu.memory_space<hbm>>
          tpu.wait_indirect_dma semaphore(%run_scoped3A_264 : memref<!tpu.dma_semaphore, #tpu.memory_space<semaphore_mem>>) src(%dma_wait3A_292 : memref<8192x384xf32, #tpu.memory_space<hbm>>) dst(%dma_wait3A_282 : memref<128x384xf32, #tpu.memory_space<vmem>>)
          tpu.yield
        }) : () -> ()
        "tpu.trace_stop"() : () -> ()
        %ne3A_199 = arith.cmpi ne, %add3A_131, %add3A_149 : i32
        %or3A_200 = arith.constant false
        %or3A_201 = arith.ori %or3A_200, %ne3A_199 : i1
        %or3A_202 = arith.ori %or3A_201, %eq3A_130 : i1
        %convert_element_type3A_203 = arith.extui %or3A_202 : i1 to i32
        %cond3A_204 = arith.constant 0 : i32
        %cond3A_205 = arith.cmpi ne, %convert_element_type3A_203, %cond3A_204 : i32
        scf.if %cond3A_205 {
        } else {
        }
        %and3A_206 = arith.constant false
        %and3A_207 = arith.andi %or3A_202, %and3A_206 : i1
        %ne3A_208 = arith.cmpi ne, %add3A_131, %add3A_149 : i32
        %or3A_209 = arith.constant false
        %or3A_210 = arith.ori %or3A_209, %ne3A_208 : i1
        %or3A_211 = arith.constant false
        %or3A_212 = arith.ori %or3A_210, %or3A_211 : i1
        %or3A_213 = arith.ori %or3A_212, %eq3A_130 : i1
        %convert_element_type3A_214 = arith.extui %or3A_213 : i1 to i32
        %cond3A_215 = arith.constant 0 : i32
        %cond3A_216 = arith.cmpi ne, %convert_element_type3A_214, %cond3A_215 : i32
        scf.if %cond3A_216 {
          "tpu.trace_start"() <{level = 10 : i32, message = "ep_copy_out"}> : () -> ()
          %rem3A_264 = arith.constant 2 : i32
          %rem3A_265 = arith.remui %scan3A_124, %rem3A_264 : i32
          %mul3A_266 = arith.constant 128 : i32
          %mul3A_267 = arith.muli %mul3A_266, %add3A_131 : i32
          %dma_start3A_268 = arith.constant 0 : i32
          %dma_start3A_269 = arith.constant 0 : i32
          %dma_start3A_270 = tpu.memref_slice %run_scoped3A_8[%rem3A_265, %dma_start3A_268, %dma_start3A_269] : memref<2x128x384xf32, #tpu.memory_space<vmem>> -> memref<1x128x384xf32, #tpu.memory_space<vmem>>
          %dma_start3A_271 = tpu.memref_squeeze %dma_start3A_270 : memref<1x128x384xf32, #tpu.memory_space<vmem>> -> memref<128x384xf32, #tpu.memory_space<vmem>>
          %dma_start3A_272 = arith.constant 0 : i32
          %dma_start3A_273 = tpu.memref_slice %arg4[%mul3A_267, %dma_start3A_272] : memref<65536x384xf32, #tpu.memory_space<hbm>> -> memref<128x384xf32, #tpu.memory_space<hbm>>
          %dma_start3A_274 = tpu.memref_slice %run_scoped3A_9[%rem3A_265] : memref<2x!tpu.dma_semaphore, #tpu.memory_space<semaphore_mem>> -> memref<1x!tpu.dma_semaphore, #tpu.memory_space<semaphore_mem>>
          %dma_start3A_275 = tpu.memref_squeeze %dma_start3A_274 : memref<1x!tpu.dma_semaphore, #tpu.memory_space<semaphore_mem>> -> memref<!tpu.dma_semaphore, #tpu.memory_space<semaphore_mem>>
          %dma_start3A_276 = arith.constant 0 : i32
          %dma_start3A_277 = tpu.memref_slice %arg4[%mul3A_267, %dma_start3A_276] : memref<65536x384xf32, #tpu.memory_space<hbm>> -> memref<128x384xf32, #tpu.memory_space<hbm>>
          %dma_start3A_278 = arith.constant 0 : i32
          %dma_start3A_279 = arith.constant 0 : i32
          %dma_start3A_280 = tpu.memref_slice %run_scoped3A_8[%rem3A_265, %dma_start3A_278, %dma_start3A_279] : memref<2x128x384xf32, #tpu.memory_space<vmem>> -> memref<1x128x384xf32, #tpu.memory_space<vmem>>
          %dma_start3A_281 = tpu.memref_squeeze %dma_start3A_280 : memref<1x128x384xf32, #tpu.memory_space<vmem>> -> memref<128x384xf32, #tpu.memory_space<vmem>>
          tpu.enqueue_dma source(%dma_start3A_281 : memref<128x384xf32, #tpu.memory_space<vmem>>) target(%dma_start3A_277 : memref<128x384xf32, #tpu.memory_space<hbm>>) target_semaphore(%dma_start3A_275 : memref<!tpu.dma_semaphore, #tpu.memory_space<semaphore_mem>>)
          "tpu.trace_stop"() : () -> ()
        } else {
        }
        %and3A_217 = arith.constant true
        %and3A_218 = arith.andi %or3A_213, %and3A_217 : i1
        %add3A_219 = arith.constant 1 : i32
        %add3A_220 = arith.addi %scan3A_124, %add3A_219 : i32
        %select_n3A_221 = arith.select %and3A_218, %add3A_220, %scan3A_124 : i32
        %ne3A_222 = arith.cmpi ne, %add3A_131, %add3A_140 : i32
        %or3A_223 = arith.constant false
        %or3A_224 = arith.ori %or3A_223, %ne3A_222 : i1
        %not3A_225 = arith.constant true
        %not3A_226 = arith.xori %eq3A_128, %not3A_225 : i1
        %and3A_227 = arith.andi %or3A_224, %not3A_226 : i1
        %convert_element_type3A_228 = arith.extui %and3A_227 : i1 to i32
        %cond3A_229 = arith.constant 0 : i32
        %cond3A_230 = arith.cmpi ne, %convert_element_type3A_228, %cond3A_229 : i32
        scf.if %cond3A_230 {
        } else {
        }
        %and3A_231 = arith.constant false
        %and3A_232 = arith.andi %and3A_227, %and3A_231 : i1
        %ne3A_233 = arith.cmpi ne, %add3A_131, %add3A_140 : i32
        %or3A_234 = arith.constant false
        %or3A_235 = arith.ori %or3A_234, %ne3A_233 : i1
        %or3A_236 = arith.constant false
        %or3A_237 = arith.ori %or3A_235, %or3A_236 : i1
        %not3A_238 = arith.constant true
        %not3A_239 = arith.xori %eq3A_128, %not3A_238 : i1
        %and3A_240 = arith.andi %or3A_237, %not3A_239 : i1
        %convert_element_type3A_241 = arith.extui %and3A_240 : i1 to i32
        %cond3A_242 = arith.constant 0 : i32
        %cond3A_243 = arith.cmpi ne, %convert_element_type3A_241, %cond3A_242 : i32
        scf.if %cond3A_243 {
          "tpu.trace_start"() <{level = 10 : i32, message = "ep_wait_out"}> : () -> ()
          %rem3A_264 = arith.constant 2 : i32
          %rem3A_265 = arith.remui %scan3A_125, %rem3A_264 : i32
          %mul3A_266 = arith.constant 128 : i32
          %mul3A_267 = arith.muli %mul3A_266, %add3A_140 : i32
          %dma_wait3A_268 = arith.constant 0 : i32
          %dma_wait3A_269 = arith.constant 0 : i32
          %dma_wait3A_270 = tpu.memref_slice %run_scoped3A_8[%rem3A_265, %dma_wait3A_268, %dma_wait3A_269] : memref<2x128x384xf32, #tpu.memory_space<vmem>> -> memref<1x128x384xf32, #tpu.memory_space<vmem>>
          %dma_wait3A_271 = tpu.memref_squeeze %dma_wait3A_270 : memref<1x128x384xf32, #tpu.memory_space<vmem>> -> memref<128x384xf32, #tpu.memory_space<vmem>>
          %dma_wait3A_272 = arith.constant 0 : i32
          %dma_wait3A_273 = tpu.memref_slice %arg4[%mul3A_267, %dma_wait3A_272] : memref<65536x384xf32, #tpu.memory_space<hbm>> -> memref<128x384xf32, #tpu.memory_space<hbm>>
          %dma_wait3A_274 = tpu.memref_slice %run_scoped3A_9[%rem3A_265] : memref<2x!tpu.dma_semaphore, #tpu.memory_space<semaphore_mem>> -> memref<1x!tpu.dma_semaphore, #tpu.memory_space<semaphore_mem>>
          %dma_wait3A_275 = tpu.memref_squeeze %dma_wait3A_274 : memref<1x!tpu.dma_semaphore, #tpu.memory_space<semaphore_mem>> -> memref<!tpu.dma_semaphore, #tpu.memory_space<semaphore_mem>>
          %dma_wait3A_276 = arith.constant 0 : i32
          %dma_wait3A_277 = tpu.memref_slice %arg4[%mul3A_267, %dma_wait3A_276] : memref<65536x384xf32, #tpu.memory_space<hbm>> -> memref<128x384xf32, #tpu.memory_space<hbm>>
          %dma_wait3A_278 = arith.constant 0 : i32
          %dma_wait3A_279 = arith.constant 0 : i32
          %dma_wait3A_280 = tpu.memref_slice %run_scoped3A_8[%rem3A_265, %dma_wait3A_278, %dma_wait3A_279] : memref<2x128x384xf32, #tpu.memory_space<vmem>> -> memref<1x128x384xf32, #tpu.memory_space<vmem>>
          %dma_wait3A_281 = tpu.memref_squeeze %dma_wait3A_280 : memref<1x128x384xf32, #tpu.memory_space<vmem>> -> memref<128x384xf32, #tpu.memory_space<vmem>>
          tpu.wait_dma2 semaphore(%dma_wait3A_275 : memref<!tpu.dma_semaphore, #tpu.memory_space<semaphore_mem>>) src(%dma_wait3A_281 : memref<128x384xf32, #tpu.memory_space<vmem>>) dst(%dma_wait3A_277 : memref<128x384xf32, #tpu.memory_space<hbm>>)
          "tpu.trace_stop"() : () -> ()
        } else {
        }
        %and3A_244 = arith.constant true
        %and3A_245 = arith.andi %and3A_240, %and3A_244 : i1
        %add3A_246 = arith.constant 1 : i32
        %add3A_247 = arith.addi %scan3A_125, %add3A_246 : i32
        %select_n3A_248 = arith.select %and3A_245, %add3A_247, %scan3A_125 : i32
        %ne3A_249 = arith.cmpi ne, %add3A_131, %add3A_149 : i32
        %or3A_250 = arith.constant false
        %or3A_251 = arith.ori %or3A_250, %ne3A_249 : i1
        %or3A_252 = arith.ori %or3A_251, %eq3A_130 : i1
        %add3A_253 = arith.constant 1 : i32
        %add3A_254 = arith.addi %scan3A_123, %add3A_253 : i32
        %select_n3A_255 = arith.select %or3A_252, %add3A_254, %scan3A_123 : i32
        %add3A_256 = arith.constant 1 : i32
        %add3A_257 = arith.addi %scan3A_126, %add3A_256 : i32
        %select_n3A_258 = arith.constant true
        %select_n3A_259 = arith.select %select_n3A_258, %add3A_257, %scan3A_126 : i32
        %eq3A_260 = arith.constant 16 : i32
        %eq3A_261 = arith.cmpi eq, %select_n3A_259, %eq3A_260 : i32
        %select_n3A_262 = arith.constant 0 : i32
        %select_n3A_263 = arith.select %eq3A_261, %select_n3A_262, %select_n3A_259 : i32
        scf.yield %select_n3A_167, %select_n3A_255, %select_n3A_221, %select_n3A_248, %select_n3A_263 : i32, i32, i32, i32, i32
      }
      %scan3A_68 = arith.constant 16 : i32
      %sub3A = arith.constant 1 : i32
      %sub3A_69 = arith.subi %scan3A_67#4, %sub3A : i32
      %select_n3A_70 = arith.constant true
      %select_n3A_71 = arith.select %select_n3A_70, %sub3A_69, %scan3A_67#4 : i32
      %eq3A_72 = arith.constant -1 : i32
      %eq3A_73 = arith.cmpi eq, %select_n3A_71, %eq3A_72 : i32
      %select_n3A_74 = arith.constant 15 : i32
      %select_n3A_75 = arith.select %eq3A_73, %select_n3A_74, %select_n3A_71 : i32
      %add3A_76 = arith.addi %select_n3A_75, %mul3A_6 : i32
      %sub3A_77 = arith.constant 1 : i32
      %sub3A_78 = arith.subi %select_n3A_75, %sub3A_77 : i32
      %select_n3A_79 = arith.constant true
      %select_n3A_80 = arith.select %select_n3A_79, %sub3A_78, %select_n3A_75 : i32
      %eq3A_81 = arith.constant -1 : i32
      %eq3A_82 = arith.cmpi eq, %select_n3A_80, %eq3A_81 : i32
      %select_n3A_83 = arith.constant 15 : i32
      %select_n3A_84 = arith.select %eq3A_82, %select_n3A_83, %select_n3A_80 : i32
      %add3A_85 = arith.addi %select_n3A_84, %mul3A_6 : i32
      %add3A_86 = arith.constant 1 : i32
      %add3A_87 = arith.addi %select_n3A_75, %add3A_86 : i32
      %select_n3A_88 = arith.constant true
      %select_n3A_89 = arith.select %select_n3A_88, %add3A_87, %select_n3A_75 : i32
      %eq3A_90 = arith.constant 16 : i32
      %eq3A_91 = arith.cmpi eq, %select_n3A_89, %eq3A_90 : i32
      %select_n3A_92 = arith.constant 0 : i32
      %select_n3A_93 = arith.select %eq3A_91, %select_n3A_92, %select_n3A_89 : i32
      %add3A_94 = arith.addi %select_n3A_93, %mul3A_6 : i32
      %add3A_95 = arith.constant 1 : i32
      %add3A_96 = arith.addi %select_n3A_93, %add3A_95 : i32
      %select_n3A_97 = arith.constant true
      %select_n3A_98 = arith.select %select_n3A_97, %add3A_96, %select_n3A_93 : i32
      %eq3A_99 = arith.constant 16 : i32
      %eq3A_100 = arith.cmpi eq, %select_n3A_98, %eq3A_99 : i32
      %select_n3A_101 = arith.constant 0 : i32
      %select_n3A_102 = arith.select %eq3A_100, %select_n3A_101, %select_n3A_98 : i32
      %add3A_103 = arith.addi %select_n3A_102, %mul3A_6 : i32
      "tpu.trace_start"() <{level = 10 : i32, message = "ep_finalize"}> : () -> ()
      %rem3A_104 = arith.constant 2 : i32
      %rem3A_105 = arith.remui %scan3A_67#3, %rem3A_104 : i32
      %mul3A_106 = arith.constant 128 : i32
      %mul3A_107 = arith.muli %mul3A_106, %add3A_76 : i32
      %dma_wait3A = arith.constant 0 : i32
      %dma_wait3A_108 = arith.constant 0 : i32
      %dma_wait3A_109 = tpu.memref_slice %run_scoped3A_8[%rem3A_105, %dma_wait3A, %dma_wait3A_108] : memref<2x128x384xf32, #tpu.memory_space<vmem>> -> memref<1x128x384xf32, #tpu.memory_space<vmem>>
      %dma_wait3A_110 = tpu.memref_squeeze %dma_wait3A_109 : memref<1x128x384xf32, #tpu.memory_space<vmem>> -> memref<128x384xf32, #tpu.memory_space<vmem>>
      %dma_wait3A_111 = arith.constant 0 : i32
      %dma_wait3A_112 = tpu.memref_slice %arg4[%mul3A_107, %dma_wait3A_111] : memref<65536x384xf32, #tpu.memory_space<hbm>> -> memref<128x384xf32, #tpu.memory_space<hbm>>
      %dma_wait3A_113 = tpu.memref_slice %run_scoped3A_9[%rem3A_105] : memref<2x!tpu.dma_semaphore, #tpu.memory_space<semaphore_mem>> -> memref<1x!tpu.dma_semaphore, #tpu.memory_space<semaphore_mem>>
      %dma_wait3A_114 = tpu.memref_squeeze %dma_wait3A_113 : memref<1x!tpu.dma_semaphore, #tpu.memory_space<semaphore_mem>> -> memref<!tpu.dma_semaphore, #tpu.memory_space<semaphore_mem>>
      %dma_wait3A_115 = arith.constant 0 : i32
      %dma_wait3A_116 = tpu.memref_slice %arg4[%mul3A_107, %dma_wait3A_115] : memref<65536x384xf32, #tpu.memory_space<hbm>> -> memref<128x384xf32, #tpu.memory_space<hbm>>
      %dma_wait3A_117 = arith.constant 0 : i32
      %dma_wait3A_118 = arith.constant 0 : i32
      %dma_wait3A_119 = tpu.memref_slice %run_scoped3A_8[%rem3A_105, %dma_wait3A_117, %dma_wait3A_118] : memref<2x128x384xf32, #tpu.memory_space<vmem>> -> memref<1x128x384xf32, #tpu.memory_space<vmem>>
      %dma_wait3A_120 = tpu.memref_squeeze %dma_wait3A_119 : memref<1x128x384xf32, #tpu.memory_space<vmem>> -> memref<128x384xf32, #tpu.memory_space<vmem>>
      tpu.wait_dma2 semaphore(%dma_wait3A_114 : memref<!tpu.dma_semaphore, #tpu.memory_space<semaphore_mem>>) src(%dma_wait3A_120 : memref<128x384xf32, #tpu.memory_space<vmem>>) dst(%dma_wait3A_116 : memref<128x384xf32, #tpu.memory_space<hbm>>)
      "tpu.trace_stop"() : () -> ()
      tpu.yield
    }) : () -> ()
    return
  }
}

module attributes {stable_mosaic.version = 14 : i64} {
  func.func @_knn_body(%arg0: i32, %arg1: memref<1x512x3xf32, #tpu.memory_space<vmem>>, %arg2: memref<3x8192xf32, #tpu.memory_space<vmem>>, %arg3: memref<512x16xi32, #tpu.memory_space<vmem>>, %arg4: memref<512x64x128xf32, #tpu.memory_space<vmem>>) attributes {dimension_semantics = [#tpu.dimension_semantics<arbitrary>], iteration_bounds = array<i64: 8>, scalar_prefetch = 0 : i64, scratch_operands = 1 : i64, tpu.core_type = #tpu.core_type<tc>, window_params = [{transform_indices = @transform_0, window_bounds = array<i64: 1, 512, 3>}, {pipeline_mode = #tpu.pipeline_mode<synchronous>, transform_indices = @transform_1, window_bounds = array<i64: 3, 8192>}, {transform_indices = @transform_2, window_bounds = array<i64: 512, 16>}]} {
    %get3A = arith.constant 0 : index
    %get3A_0 = arith.constant 0 : index
    %get3A_1 = arith.constant 0 : index
    %get3A_2 = vector.load %arg1[%get3A, %get3A_0, %get3A_1] : memref<1x512x3xf32, #tpu.memory_space<vmem>>, vector<1x512x3xf32>
    %get3A_3 = vector.shape_cast %get3A_2 : vector<1x512x3xf32> to vector<512x3xf32>
    %get3A_4 = arith.constant 0 : index
    %get3A_5 = arith.constant 0 : index
    %get3A_6 = vector.load %arg2[%get3A_4, %get3A_5] : memref<3x8192xf32, #tpu.memory_space<vmem>>, vector<3x8192xf32>
    %mul3A = arith.mulf %get3A_6, %get3A_6 : vector<3x8192xf32>
    %reduce_sum3A = arith.constant dense<0.000000e+00> : vector<8192xf32>
    %reduce_sum3A_7 = vector.multi_reduction <add>, %mul3A, %reduce_sum3A [0] : vector<3x8192xf32> to vector<8192xf32>
    %broadcast_in_dim3A = vector.shape_cast %reduce_sum3A_7 : vector<8192xf32> to vector<1x8192xf32>
    %mul3A_8 = arith.mulf %get3A_3, %get3A_3 : vector<512x3xf32>
    %reduce_sum3A_9 = arith.constant dense<0.000000e+00> : vector<512xf32>
    %reduce_sum3A_10 = vector.multi_reduction <add>, %mul3A_8, %reduce_sum3A_9 [1] : vector<512x3xf32> to vector<512xf32>
    %broadcast_in_dim3A_11 = vector.shape_cast %reduce_sum3A_10 : vector<512xf32> to vector<512x1xf32>
    %convert_element_type3A = arith.truncf %get3A_3 : vector<512x3xf32> to vector<512x3xbf16>
    %convert_element_type3A_12 = arith.truncf %get3A_6 : vector<3x8192xf32> to vector<3x8192xbf16>
    %dot_general3A = arith.constant dense<0.000000e+00> : vector<512x8192xf32>
    %dot_general3A_13 = tpu.matmul %convert_element_type3A, %convert_element_type3A_12, %dot_general3A {dimension_numbers = #tpu.dot_dimension_numbers<[1], [0], [0], [1], [0, 0, 1, 1], [], []>, transpose_lhs_hint = false} : vector<512x3xbf16>, vector<3x8192xbf16>, vector<512x8192xf32> -> vector<512x8192xf32>
    %add3A = vector.broadcast %broadcast_in_dim3A_11 : vector<512x1xf32> to vector<512x8192xf32>
    %add3A_14 = vector.broadcast %broadcast_in_dim3A : vector<1x8192xf32> to vector<512x8192xf32>
    %add3A_15 = arith.addf %add3A, %add3A_14 : vector<512x8192xf32>
    %mul3A_16 = arith.constant 2.000000e+00 : f32
    %mul3A_17 = vector.broadcast %mul3A_16 : f32 to vector<512x8192xf32>
    %mul3A_18 = arith.mulf %mul3A_17, %dot_general3A_13 : vector<512x8192xf32>
    %sub3A = arith.subf %add3A_15, %mul3A_18 : vector<512x8192xf32>
    %reshape3A = vector.shape_cast %sub3A : vector<512x8192xf32> to vector<512x64x128xf32>
    %swap3A = arith.constant 0 : index
    %swap3A_19 = arith.constant 0 : index
    %swap3A_20 = arith.constant 0 : index
    %swap3A_21 = vector.load %arg4[%swap3A, %swap3A_19, %swap3A_20] : memref<512x64x128xf32, #tpu.memory_space<vmem>>, vector<512x64x128xf32>
    tpu.vector_store %arg4[%swap3A, %swap3A_19, %swap3A_20], %reshape3A {strides = array<i32>} : memref<512x64x128xf32, #tpu.memory_space<vmem>>, vector<512x64x128xf32>,
    %iota3A = tpu.iota {dimensions = array<i32: 1>} : vector<512x64x128xi32>
    %iota3A_22 = tpu.iota {dimensions = array<i32: 1>} : vector<512x128xi32>
    %get3A_23 = arith.constant 0 : index
    %get3A_24 = arith.constant 0 : index
    %get3A_25 = arith.constant 0 : index
    %get3A_26 = vector.load %arg4[%get3A_23, %get3A_24, %get3A_25] : memref<512x64x128xf32, #tpu.memory_space<vmem>>, vector<512x64x128xf32>
    %reduce_min3A = arith.constant dense<0x7F800000> : vector<512x128xf32>
    %reduce_min3A_27 = vector.multi_reduction <minimumf>, %get3A_26, %reduce_min3A [1] : vector<512x64x128xf32> to vector<512x128xf32>
    %broadcast_in_dim3A_28 = vector.shape_cast %reduce_min3A_27 : vector<512x128xf32> to vector<512x1x128xf32>
    %eq3A = vector.broadcast %broadcast_in_dim3A_28 : vector<512x1x128xf32> to vector<512x64x128xf32>
    %eq3A_29 = arith.cmpf oeq, %get3A_26, %eq3A : vector<512x64x128xf32>
    %jit3A = arith.constant 64 : i32
    %broadcast_in_dim3A_30 = vector.broadcast %jit3A : i32 to vector<512x64x128xi32>
    %select_n3A = arith.select %eq3A_29, %iota3A, %broadcast_in_dim3A_30 : vector<512x64x128xi1>, vector<512x64x128xi32>
    %reduce_min3A_31 = arith.constant dense<2147483647> : vector<512x128xi32>
    %reduce_min3A_32 = vector.multi_reduction <minsi>, %select_n3A, %reduce_min3A_31 [1] : vector<512x64x128xi32> to vector<512x128xi32>
    %broadcast_in_dim3A_33 = vector.shape_cast %reduce_min3A_32 : vector<512x128xi32> to vector<512x1x128xi32>
    %eq3A_34 = vector.broadcast %broadcast_in_dim3A_33 : vector<512x1x128xi32> to vector<512x64x128xi32>
    %eq3A_35 = arith.cmpi eq, %iota3A, %eq3A_34 : vector<512x64x128xi32>
    %jit3A_36 = arith.constant 0x7F800000 : f32
    %broadcast_in_dim3A_37 = vector.broadcast %jit3A_36 : f32 to vector<512x64x128xf32>
    %select_n3A_38 = arith.select %eq3A_35, %broadcast_in_dim3A_37, %get3A_26 : vector<512x64x128xi1>, vector<512x64x128xf32>
    %swap3A_39 = arith.constant 0 : index
    %swap3A_40 = arith.constant 0 : index
    %swap3A_41 = arith.constant 0 : index
    %swap3A_42 = vector.load %arg4[%swap3A_39, %swap3A_40, %swap3A_41] : memref<512x64x128xf32, #tpu.memory_space<vmem>>, vector<512x64x128xf32>
    tpu.vector_store %arg4[%swap3A_39, %swap3A_40, %swap3A_41], %select_n3A_38 {strides = array<i32>} : memref<512x64x128xf32, #tpu.memory_space<vmem>>, vector<512x64x128xf32>,
    %mul3A_43 = arith.constant 128 : i32
    %mul3A_44 = vector.broadcast %mul3A_43 : i32 to vector<512x128xi32>
    %mul3A_45 = arith.muli %reduce_min3A_32, %mul3A_44 : vector<512x128xi32>
    %add3A_46 = arith.addi %mul3A_45, %iota3A_22 : vector<512x128xi32>
    %get3A_47 = arith.constant 0 : index
    %get3A_48 = arith.constant 0 : index
    %get3A_49 = arith.constant 0 : index
    %get3A_50 = vector.load %arg4[%get3A_47, %get3A_48, %get3A_49] : memref<512x64x128xf32, #tpu.memory_space<vmem>>, vector<512x64x128xf32>
    %reduce_min3A_51 = arith.constant dense<0x7F800000> : vector<512x128xf32>
    %reduce_min3A_52 = vector.multi_reduction <minimumf>, %get3A_50, %reduce_min3A_51 [1] : vector<512x64x128xf32> to vector<512x128xf32>
    %broadcast_in_dim3A_53 = vector.shape_cast %reduce_min3A_52 : vector<512x128xf32> to vector<512x1x128xf32>
    %eq3A_54 = vector.broadcast %broadcast_in_dim3A_53 : vector<512x1x128xf32> to vector<512x64x128xf32>
    %eq3A_55 = arith.cmpf oeq, %get3A_50, %eq3A_54 : vector<512x64x128xf32>
    %jit3A_56 = arith.constant 64 : i32
    %broadcast_in_dim3A_57 = vector.broadcast %jit3A_56 : i32 to vector<512x64x128xi32>
    %select_n3A_58 = arith.select %eq3A_55, %iota3A, %broadcast_in_dim3A_57 : vector<512x64x128xi1>, vector<512x64x128xi32>
    %reduce_min3A_59 = arith.constant dense<2147483647> : vector<512x128xi32>
    %reduce_min3A_60 = vector.multi_reduction <minsi>, %select_n3A_58, %reduce_min3A_59 [1] : vector<512x64x128xi32> to vector<512x128xi32>
    %broadcast_in_dim3A_61 = vector.shape_cast %reduce_min3A_60 : vector<512x128xi32> to vector<512x1x128xi32>
    %eq3A_62 = vector.broadcast %broadcast_in_dim3A_61 : vector<512x1x128xi32> to vector<512x64x128xi32>
    %eq3A_63 = arith.cmpi eq, %iota3A, %eq3A_62 : vector<512x64x128xi32>
    %jit3A_64 = arith.constant 0x7F800000 : f32
    %broadcast_in_dim3A_65 = vector.broadcast %jit3A_64 : f32 to vector<512x64x128xf32>
    %select_n3A_66 = arith.select %eq3A_63, %broadcast_in_dim3A_65, %get3A_50 : vector<512x64x128xi1>, vector<512x64x128xf32>
    %swap3A_67 = arith.constant 0 : index
    %swap3A_68 = arith.constant 0 : index
    %swap3A_69 = arith.constant 0 : index
    %swap3A_70 = vector.load %arg4[%swap3A_67, %swap3A_68, %swap3A_69] : memref<512x64x128xf32, #tpu.memory_space<vmem>>, vector<512x64x128xf32>
    tpu.vector_store %arg4[%swap3A_67, %swap3A_68, %swap3A_69], %select_n3A_66 {strides = array<i32>} : memref<512x64x128xf32, #tpu.memory_space<vmem>>, vector<512x64x128xf32>,
    %mul3A_71 = arith.constant 128 : i32
    %mul3A_72 = vector.broadcast %mul3A_71 : i32 to vector<512x128xi32>
    %mul3A_73 = arith.muli %reduce_min3A_60, %mul3A_72 : vector<512x128xi32>
    %add3A_74 = arith.addi %mul3A_73, %iota3A_22 : vector<512x128xi32>
    %get3A_75 = arith.constant 0 : index
    %get3A_76 = arith.constant 0 : index
    %get3A_77 = arith.constant 0 : index
    %get3A_78 = vector.load %arg4[%get3A_75, %get3A_76, %get3A_77] : memref<512x64x128xf32, #tpu.memory_space<vmem>>, vector<512x64x128xf32>
    %reduce_min3A_79 = arith.constant dense<0x7F800000> : vector<512x128xf32>
    %reduce_min3A_80 = vector.multi_reduction <minimumf>, %get3A_78, %reduce_min3A_79 [1] : vector<512x64x128xf32> to vector<512x128xf32>
    %broadcast_in_dim3A_81 = vector.shape_cast %reduce_min3A_80 : vector<512x128xf32> to vector<512x1x128xf32>
    %eq3A_82 = vector.broadcast %broadcast_in_dim3A_81 : vector<512x1x128xf32> to vector<512x64x128xf32>
    %eq3A_83 = arith.cmpf oeq, %get3A_78, %eq3A_82 : vector<512x64x128xf32>
    %jit3A_84 = arith.constant 64 : i32
    %broadcast_in_dim3A_85 = vector.broadcast %jit3A_84 : i32 to vector<512x64x128xi32>
    %select_n3A_86 = arith.select %eq3A_83, %iota3A, %broadcast_in_dim3A_85 : vector<512x64x128xi1>, vector<512x64x128xi32>
    %reduce_min3A_87 = arith.constant dense<2147483647> : vector<512x128xi32>
    %reduce_min3A_88 = vector.multi_reduction <minsi>, %select_n3A_86, %reduce_min3A_87 [1] : vector<512x64x128xi32> to vector<512x128xi32>
    %broadcast_in_dim3A_89 = vector.shape_cast %reduce_min3A_88 : vector<512x128xi32> to vector<512x1x128xi32>
    %eq3A_90 = vector.broadcast %broadcast_in_dim3A_89 : vector<512x1x128xi32> to vector<512x64x128xi32>
    %eq3A_91 = arith.cmpi eq, %iota3A, %eq3A_90 : vector<512x64x128xi32>
    %jit3A_92 = arith.constant 0x7F800000 : f32
    %broadcast_in_dim3A_93 = vector.broadcast %jit3A_92 : f32 to vector<512x64x128xf32>
    %select_n3A_94 = arith.select %eq3A_91, %broadcast_in_dim3A_93, %get3A_78 : vector<512x64x128xi1>, vector<512x64x128xf32>
    %swap3A_95 = arith.constant 0 : index
    %swap3A_96 = arith.constant 0 : index
    %swap3A_97 = arith.constant 0 : index
    %swap3A_98 = vector.load %arg4[%swap3A_95, %swap3A_96, %swap3A_97] : memref<512x64x128xf32, #tpu.memory_space<vmem>>, vector<512x64x128xf32>
    tpu.vector_store %arg4[%swap3A_95, %swap3A_96, %swap3A_97], %select_n3A_94 {strides = array<i32>} : memref<512x64x128xf32, #tpu.memory_space<vmem>>, vector<512x64x128xf32>,
    %mul3A_99 = arith.constant 128 : i32
    %mul3A_100 = vector.broadcast %mul3A_99 : i32 to vector<512x128xi32>
    %mul3A_101 = arith.muli %reduce_min3A_88, %mul3A_100 : vector<512x128xi32>
    %add3A_102 = arith.addi %mul3A_101, %iota3A_22 : vector<512x128xi32>
    %get3A_103 = arith.constant 0 : index
    %get3A_104 = arith.constant 0 : index
    %get3A_105 = arith.constant 0 : index
    %get3A_106 = vector.load %arg4[%get3A_103, %get3A_104, %get3A_105] : memref<512x64x128xf32, #tpu.memory_space<vmem>>, vector<512x64x128xf32>
    %reduce_min3A_107 = arith.constant dense<0x7F800000> : vector<512x128xf32>
    %reduce_min3A_108 = vector.multi_reduction <minimumf>, %get3A_106, %reduce_min3A_107 [1] : vector<512x64x128xf32> to vector<512x128xf32>
    %broadcast_in_dim3A_109 = vector.shape_cast %reduce_min3A_108 : vector<512x128xf32> to vector<512x1x128xf32>
    %eq3A_110 = vector.broadcast %broadcast_in_dim3A_109 : vector<512x1x128xf32> to vector<512x64x128xf32>
    %eq3A_111 = arith.cmpf oeq, %get3A_106, %eq3A_110 : vector<512x64x128xf32>
    %jit3A_112 = arith.constant 64 : i32
    %broadcast_in_dim3A_113 = vector.broadcast %jit3A_112 : i32 to vector<512x64x128xi32>
    %select_n3A_114 = arith.select %eq3A_111, %iota3A, %broadcast_in_dim3A_113 : vector<512x64x128xi1>, vector<512x64x128xi32>
    %reduce_min3A_115 = arith.constant dense<2147483647> : vector<512x128xi32>
    %reduce_min3A_116 = vector.multi_reduction <minsi>, %select_n3A_114, %reduce_min3A_115 [1] : vector<512x64x128xi32> to vector<512x128xi32>
    %mul3A_117 = arith.constant 128 : i32
    %mul3A_118 = vector.broadcast %mul3A_117 : i32 to vector<512x128xi32>
    %mul3A_119 = arith.muli %reduce_min3A_116, %mul3A_118 : vector<512x128xi32>
    %add3A_120 = arith.addi %mul3A_119, %iota3A_22 : vector<512x128xi32>
    %concatenate3A = tpu.concatenate %reduce_min3A_27, %reduce_min3A_52, %reduce_min3A_80, %reduce_min3A_108 in 1 : vector<512x128xf32>, vector<512x128xf32>, vector<512x128xf32>, vector<512x128xf32> -> vector<512x512xf32>
    %concatenate3A_121 = tpu.concatenate %add3A_46, %add3A_74, %add3A_102, %add3A_120 in 1 : vector<512x128xi32>, vector<512x128xi32>, vector<512x128xi32>, vector<512x128xi32> -> vector<512x512xi32>
    %iota3A_122 = tpu.iota {dimensions = array<i32: 1>} : vector<512x16xi32>
    %broadcast_in_dim3A_123 = arith.constant 0 : i32
    %broadcast_in_dim3A_124 = vector.broadcast %broadcast_in_dim3A_123 : i32 to vector<512x16xi32>
    %scan3A = arith.constant 0x7F800000 : f32
    %scan3A_125 = arith.constant 0 : i32
    %scan3A_126 = arith.constant 16 : i32
    %scan3A_127 = arith.addi %scan3A_125, %scan3A_126 : i32
    %scan3A_128 = arith.constant 1 : i32
    %scan3A_129:2 = scf.for %scan3A_134 = %scan3A_125 to %scan3A_127 step %scan3A_128 iter_args(%scan3A_135 = %concatenate3A, %scan3A_136 = %broadcast_in_dim3A_124) -> (vector<512x512xf32>, vector<512x16xi32>)  : i32 {
      %reduce_min3A_137 = arith.constant dense<0x7F800000> : vector<512xf32>
      %reduce_min3A_138 = vector.multi_reduction <minimumf>, %scan3A_135, %reduce_min3A_137 [1] : vector<512x512xf32> to vector<512xf32>
      %broadcast_in_dim3A_139 = vector.shape_cast %reduce_min3A_138 : vector<512xf32> to vector<512x1xf32>
      %eq3A_140 = vector.broadcast %broadcast_in_dim3A_139 : vector<512x1xf32> to vector<512x512xf32>
      %eq3A_141 = arith.cmpf oeq, %scan3A_135, %eq3A_140 : vector<512x512xf32>
      %jit3A_142 = arith.constant 8192 : i32
      %broadcast_in_dim3A_143 = vector.broadcast %jit3A_142 : i32 to vector<512x512xi32>
      %select_n3A_144 = arith.select %eq3A_141, %concatenate3A_121, %broadcast_in_dim3A_143 : vector<512x512xi1>, vector<512x512xi32>
      %reduce_min3A_145 = arith.constant dense<2147483647> : vector<512xi32>
      %reduce_min3A_146 = vector.multi_reduction <minsi>, %select_n3A_144, %reduce_min3A_145 [1] : vector<512x512xi32> to vector<512xi32>
      %broadcast_in_dim3A_147 = vector.shape_cast %reduce_min3A_146 : vector<512xi32> to vector<512x1xi32>
      %eq3A_148 = vector.broadcast %broadcast_in_dim3A_139 : vector<512x1xf32> to vector<512x512xf32>
      %eq3A_149 = arith.cmpf oeq, %scan3A_135, %eq3A_148 : vector<512x512xf32>
      %eq3A_150 = vector.broadcast %broadcast_in_dim3A_147 : vector<512x1xi32> to vector<512x512xi32>
      %eq3A_151 = arith.cmpi eq, %concatenate3A_121, %eq3A_150 : vector<512x512xi32>
      %and3A = arith.andi %eq3A_149, %eq3A_151 : vector<512x512xi1>
      %broadcast_in_dim3A_152 = vector.broadcast %scan3A : f32 to vector<512x512xf32>
      %select_n3A_153 = arith.select %and3A, %broadcast_in_dim3A_152, %scan3A_135 : vector<512x512xi1>, vector<512x512xf32>
      %eq3A_154 = vector.broadcast %scan3A_134 : i32 to vector<512x16xi32>
      %eq3A_155 = arith.cmpi eq, %iota3A_122, %eq3A_154 : vector<512x16xi32>
      %broadcast_in_dim3A_156 = vector.shape_cast %broadcast_in_dim3A_147 : vector<512x1xi32> to vector<512x1xi32>
      %broadcast_in_dim3A_157 = vector.broadcast %broadcast_in_dim3A_156 : vector<512x1xi32> to vector<512x16xi32>
      %select_n3A_158 = arith.select %eq3A_155, %broadcast_in_dim3A_157, %scan3A_136 : vector<512x16xi1>, vector<512x16xi32>
      scf.yield %select_n3A_153, %select_n3A_158 : vector<512x512xf32>, vector<512x16xi32>
    }
    %scan3A_130 = arith.constant 16 : i32
    %swap3A_131 = arith.constant 0 : index
    %swap3A_132 = arith.constant 0 : index
    %swap3A_133 = vector.load %arg3[%swap3A_131, %swap3A_132] : memref<512x16xi32, #tpu.memory_space<vmem>>, vector<512x16xi32>
    tpu.vector_store %arg3[%swap3A_131, %swap3A_132], %scan3A_129#1 {strides = array<i32>} : memref<512x16xi32, #tpu.memory_space<vmem>>, vector<512x16xi32>,
    return
  }
  func.func @transform_0(%arg0: i32) -> (i32, i32, i32) {
    %add3A = arith.constant 8 : i32
    %add3A_0 = arith.addi %arg0, %add3A : i32
    %c0_i32 = arith.constant 0 : i32
    %c0_i32_1 = arith.constant 0 : i32
    %c0_i32_2 = arith.constant 0 : i32
    return %c0_i32, %add3A_0, %c0_i32_1 : i32, i32, i32
  }
  func.func @transform_1(%arg0: i32) -> (i32, i32) {
    %c0_i32 = arith.constant 0 : i32
    %c0_i32_0 = arith.constant 0 : i32
    %c0_i32_1 = arith.constant 0 : i32
    return %c0_i32, %c0_i32_0 : i32, i32
  }
  func.func @transform_2(%arg0: i32) -> (i32, i32) {
    %c0_i32 = arith.constant 0 : i32
    %c0_i32_0 = arith.constant 0 : i32
    return %arg0, %c0_i32 : i32, i32
  }
}

module attributes {stable_mosaic.version = 14 : i64} {
  func.func @_feat_body(%arg0: i32, %arg1: memref<1x32x1024xf32, #tpu.memory_space<vmem>>, %arg2: memref<1x1024x3xf32, #tpu.memory_space<vmem>>, %arg3: memref<3x64xf32, #tpu.memory_space<vmem>>, %arg4: memref<1x64xf32, #tpu.memory_space<vmem>>, %arg5: memref<64x128xf32, #tpu.memory_space<vmem>>, %arg6: memref<1x128xf32, #tpu.memory_space<vmem>>, %arg7: memref<32x64xf32, #tpu.memory_space<vmem>>, %arg8: memref<1x64xf32, #tpu.memory_space<vmem>>, %arg9: memref<64x128xf32, #tpu.memory_space<vmem>>, %arg10: memref<1x128xf32, #tpu.memory_space<vmem>>, %arg11: memref<128x256xf32, #tpu.memory_space<vmem>>, %arg12: memref<1x256xf32, #tpu.memory_space<vmem>>, %arg13: memref<256x128xf32, #tpu.memory_space<vmem>>, %arg14: memref<1x128xf32, #tpu.memory_space<vmem>>, %arg15: memref<1024x128xf32, #tpu.memory_space<vmem>>, %arg16: memref<1024x384xf32, #tpu.memory_space<vmem>>) attributes {dimension_semantics = [#tpu.dimension_semantics<arbitrary>], iteration_bounds = array<i64: 8>, scalar_prefetch = 0 : i64, scratch_operands = 0 : i64, tpu.core_type = #tpu.core_type<tc>, window_params = [{transform_indices = @transform_0, window_bounds = array<i64: 1, 32, 1024>}, {transform_indices = @transform_1, window_bounds = array<i64: 1, 1024, 3>}, {pipeline_mode = #tpu.pipeline_mode<synchronous>, transform_indices = @transform_2, window_bounds = array<i64: 3, 64>}, {pipeline_mode = #tpu.pipeline_mode<synchronous>, transform_indices = @transform_3, window_bounds = array<i64: 1, 64>}, {pipeline_mode = #tpu.pipeline_mode<synchronous>, transform_indices = @transform_4, window_bounds = array<i64: 64, 128>}, {pipeline_mode = #tpu.pipeline_mode<synchronous>, transform_indices = @transform_5, window_bounds = array<i64: 1, 128>}, {pipeline_mode = #tpu.pipeline_mode<synchronous>, transform_indices = @transform_6, window_bounds = array<i64: 32, 64>}, {pipeline_mode = #tpu.pipeline_mode<synchronous>, transform_indices = @transform_7, window_bounds = array<i64: 1, 64>}, {pipeline_mode = #tpu.pipeline_mode<synchronous>, transform_indices = @transform_8, window_bounds = array<i64: 64, 128>}, {pipeline_mode = #tpu.pipeline_mode<synchronous>, transform_indices = @transform_9, window_bounds = array<i64: 1, 128>}, {pipeline_mode = #tpu.pipeline_mode<synchronous>, transform_indices = @transform_10, window_bounds = array<i64: 128, 256>}, {pipeline_mode = #tpu.pipeline_mode<synchronous>, transform_indices = @transform_11, window_bounds = array<i64: 1, 256>}, {pipeline_mode = #tpu.pipeline_mode<synchronous>, transform_indices = @transform_12, window_bounds = array<i64: 256, 128>}, {pipeline_mode = #tpu.pipeline_mode<synchronous>, transform_indices = @transform_13, window_bounds = array<i64: 1, 128>}, {transform_indices = @transform_14, window_bounds = array<i64: 1024, 128>}, {transform_indices = @transform_15, window_bounds = array<i64: 1024, 384>}]} {
    %get3A = arith.constant 0 : index
    %get3A_0 = arith.constant 0 : index
    %get3A_1 = arith.constant 0 : index
    %get3A_2 = vector.load %arg2[%get3A, %get3A_0, %get3A_1] : memref<1x1024x3xf32, #tpu.memory_space<vmem>>, vector<1x1024x3xf32>
    %get3A_3 = vector.shape_cast %get3A_2 : vector<1x1024x3xf32> to vector<1024x3xf32>
    %get3A_4 = arith.constant 0 : index
    %get3A_5 = arith.constant 0 : index
    %get3A_6 = arith.constant 0 : index
    %get3A_7 = vector.load %arg1[%get3A_4, %get3A_5, %get3A_6] : memref<1x32x1024xf32, #tpu.memory_space<vmem>>, vector<1x32x1024xf32>
    %get3A_8 = vector.shape_cast %get3A_7 : vector<1x32x1024xf32> to vector<32x1024xf32>
    %transpose3A = tpu.transpose %get3A_8, [1, 0] : vector<32x1024xf32> -> vector<1024x32xf32>
    %get3A_9 = arith.constant 0 : index
    %get3A_10 = arith.constant 0 : index
    %get3A_11 = vector.load %arg3[%get3A_9, %get3A_10] : memref<3x64xf32, #tpu.memory_space<vmem>>, vector<3x64xf32>
    %convert_element_type3A = arith.truncf %get3A_3 : vector<1024x3xf32> to vector<1024x3xbf16>
    %convert_element_type3A_12 = arith.truncf %get3A_11 : vector<3x64xf32> to vector<3x64xbf16>
    %dot_general3A = arith.constant dense<0.000000e+00> : vector<1024x64xf32>
    %dot_general3A_13 = tpu.matmul %convert_element_type3A, %convert_element_type3A_12, %dot_general3A {dimension_numbers = #tpu.dot_dimension_numbers<[1], [0], [0], [1], [0, 0, 1, 1], [], []>, transpose_lhs_hint = false} : vector<1024x3xbf16>, vector<3x64xbf16>, vector<1024x64xf32> -> vector<1024x64xf32>
    %get3A_14 = arith.constant 0 : index
    %get3A_15 = arith.constant 0 : index
    %get3A_16 = vector.load %arg4[%get3A_14, %get3A_15] : memref<1x64xf32, #tpu.memory_space<vmem>>, vector<1x64xf32>
    %add3A = vector.broadcast %get3A_16 : vector<1x64xf32> to vector<1024x64xf32>
    %add3A_17 = arith.addf %dot_general3A_13, %add3A : vector<1024x64xf32>
    %ge3A = arith.constant 0.000000e+00 : f32
    %ge3A_18 = vector.broadcast %ge3A : f32 to vector<1024x64xf32>
    %ge3A_19 = arith.cmpf oge, %add3A_17, %ge3A_18 : vector<1024x64xf32>
    %mul3A = arith.constant 0.00999999977 : f32
    %mul3A_20 = vector.broadcast %mul3A : f32 to vector<1024x64xf32>
    %mul3A_21 = arith.mulf %mul3A_20, %add3A_17 : vector<1024x64xf32>
    %select_n3A = arith.select %ge3A_19, %add3A_17, %mul3A_21 : vector<1024x64xi1>, vector<1024x64xf32>
    %get3A_22 = arith.constant 0 : index
    %get3A_23 = arith.constant 0 : index
    %get3A_24 = vector.load %arg5[%get3A_22, %get3A_23] : memref<64x128xf32, #tpu.memory_space<vmem>>, vector<64x128xf32>
    %convert_element_type3A_25 = arith.truncf %select_n3A : vector<1024x64xf32> to vector<1024x64xbf16>
    %convert_element_type3A_26 = arith.truncf %get3A_24 : vector<64x128xf32> to vector<64x128xbf16>
    %dot_general3A_27 = arith.constant dense<0.000000e+00> : vector<1024x128xf32>
    %dot_general3A_28 = tpu.matmul %convert_element_type3A_25, %convert_element_type3A_26, %dot_general3A_27 {dimension_numbers = #tpu.dot_dimension_numbers<[1], [0], [0], [1], [0, 0, 1, 1], [], []>, transpose_lhs_hint = false} : vector<1024x64xbf16>, vector<64x128xbf16>, vector<1024x128xf32> -> vector<1024x128xf32>
    %get3A_29 = arith.constant 0 : index
    %get3A_30 = arith.constant 0 : index
    %get3A_31 = vector.load %arg6[%get3A_29, %get3A_30] : memref<1x128xf32, #tpu.memory_space<vmem>>, vector<1x128xf32>
    %add3A_32 = vector.broadcast %get3A_31 : vector<1x128xf32> to vector<1024x128xf32>
    %add3A_33 = arith.addf %dot_general3A_28, %add3A_32 : vector<1024x128xf32>
    %get3A_34 = arith.constant 0 : index
    %get3A_35 = arith.constant 0 : index
    %get3A_36 = vector.load %arg7[%get3A_34, %get3A_35] : memref<32x64xf32, #tpu.memory_space<vmem>>, vector<32x64xf32>
    %convert_element_type3A_37 = arith.truncf %transpose3A : vector<1024x32xf32> to vector<1024x32xbf16>
    %convert_element_type3A_38 = arith.truncf %get3A_36 : vector<32x64xf32> to vector<32x64xbf16>
    %dot_general3A_39 = arith.constant dense<0.000000e+00> : vector<1024x64xf32>
    %dot_general3A_40 = tpu.matmul %convert_element_type3A_37, %convert_element_type3A_38, %dot_general3A_39 {dimension_numbers = #tpu.dot_dimension_numbers<[1], [0], [0], [1], [0, 0, 1, 1], [], []>, transpose_lhs_hint = false} : vector<1024x32xbf16>, vector<32x64xbf16>, vector<1024x64xf32> -> vector<1024x64xf32>
    %get3A_41 = arith.constant 0 : index
    %get3A_42 = arith.constant 0 : index
    %get3A_43 = vector.load %arg8[%get3A_41, %get3A_42] : memref<1x64xf32, #tpu.memory_space<vmem>>, vector<1x64xf32>
    %add3A_44 = vector.broadcast %get3A_43 : vector<1x64xf32> to vector<1024x64xf32>
    %add3A_45 = arith.addf %dot_general3A_40, %add3A_44 : vector<1024x64xf32>
    %ge3A_46 = arith.constant 0.000000e+00 : f32
    %ge3A_47 = vector.broadcast %ge3A_46 : f32 to vector<1024x64xf32>
    %ge3A_48 = arith.cmpf oge, %add3A_45, %ge3A_47 : vector<1024x64xf32>
    %mul3A_49 = arith.constant 0.00999999977 : f32
    %mul3A_50 = vector.broadcast %mul3A_49 : f32 to vector<1024x64xf32>
    %mul3A_51 = arith.mulf %mul3A_50, %add3A_45 : vector<1024x64xf32>
    %select_n3A_52 = arith.select %ge3A_48, %add3A_45, %mul3A_51 : vector<1024x64xi1>, vector<1024x64xf32>
    %get3A_53 = arith.constant 0 : index
    %get3A_54 = arith.constant 0 : index
    %get3A_55 = vector.load %arg9[%get3A_53, %get3A_54] : memref<64x128xf32, #tpu.memory_space<vmem>>, vector<64x128xf32>
    %convert_element_type3A_56 = arith.truncf %select_n3A_52 : vector<1024x64xf32> to vector<1024x64xbf16>
    %convert_element_type3A_57 = arith.truncf %get3A_55 : vector<64x128xf32> to vector<64x128xbf16>
    %dot_general3A_58 = arith.constant dense<0.000000e+00> : vector<1024x128xf32>
    %dot_general3A_59 = tpu.matmul %convert_element_type3A_56, %convert_element_type3A_57, %dot_general3A_58 {dimension_numbers = #tpu.dot_dimension_numbers<[1], [0], [0], [1], [0, 0, 1, 1], [], []>, transpose_lhs_hint = false} : vector<1024x64xbf16>, vector<64x128xbf16>, vector<1024x128xf32> -> vector<1024x128xf32>
    %get3A_60 = arith.constant 0 : index
    %get3A_61 = arith.constant 0 : index
    %get3A_62 = vector.load %arg10[%get3A_60, %get3A_61] : memref<1x128xf32, #tpu.memory_space<vmem>>, vector<1x128xf32>
    %add3A_63 = vector.broadcast %get3A_62 : vector<1x128xf32> to vector<1024x128xf32>
    %add3A_64 = arith.addf %dot_general3A_59, %add3A_63 : vector<1024x128xf32>
    %get3A_65 = arith.constant 0 : index
    %get3A_66 = arith.constant 0 : index
    %get3A_67 = vector.load %arg11[%get3A_65, %get3A_66] : memref<128x256xf32, #tpu.memory_space<vmem>>, vector<128x256xf32>
    %convert_element_type3A_68 = arith.truncf %add3A_33 : vector<1024x128xf32> to vector<1024x128xbf16>
    %convert_element_type3A_69 = arith.truncf %get3A_67 : vector<128x256xf32> to vector<128x256xbf16>
    %dot_general3A_70 = arith.constant dense<0.000000e+00> : vector<1024x256xf32>
    %dot_general3A_71 = tpu.matmul %convert_element_type3A_68, %convert_element_type3A_69, %dot_general3A_70 {dimension_numbers = #tpu.dot_dimension_numbers<[1], [0], [0], [1], [0, 0, 1, 1], [], []>, transpose_lhs_hint = false} : vector<1024x128xbf16>, vector<128x256xbf16>, vector<1024x256xf32> -> vector<1024x256xf32>
    %get3A_72 = arith.constant 0 : index
    %get3A_73 = arith.constant 0 : index
    %get3A_74 = vector.load %arg12[%get3A_72, %get3A_73] : memref<1x256xf32, #tpu.memory_space<vmem>>, vector<1x256xf32>
    %add3A_75 = vector.broadcast %get3A_74 : vector<1x256xf32> to vector<1024x256xf32>
    %add3A_76 = arith.addf %dot_general3A_71, %add3A_75 : vector<1024x256xf32>
    %ge3A_77 = arith.constant 0.000000e+00 : f32
    %ge3A_78 = vector.broadcast %ge3A_77 : f32 to vector<1024x256xf32>
    %ge3A_79 = arith.cmpf oge, %add3A_76, %ge3A_78 : vector<1024x256xf32>
    %mul3A_80 = arith.constant 0.00999999977 : f32
    %mul3A_81 = vector.broadcast %mul3A_80 : f32 to vector<1024x256xf32>
    %mul3A_82 = arith.mulf %mul3A_81, %add3A_76 : vector<1024x256xf32>
    %select_n3A_83 = arith.select %ge3A_79, %add3A_76, %mul3A_82 : vector<1024x256xi1>, vector<1024x256xf32>
    %get3A_84 = arith.constant 0 : index
    %get3A_85 = arith.constant 0 : index
    %get3A_86 = vector.load %arg13[%get3A_84, %get3A_85] : memref<256x128xf32, #tpu.memory_space<vmem>>, vector<256x128xf32>
    %convert_element_type3A_87 = arith.truncf %select_n3A_83 : vector<1024x256xf32> to vector<1024x256xbf16>
    %convert_element_type3A_88 = arith.truncf %get3A_86 : vector<256x128xf32> to vector<256x128xbf16>
    %dot_general3A_89 = arith.constant dense<0.000000e+00> : vector<1024x128xf32>
    %dot_general3A_90 = tpu.matmul %convert_element_type3A_87, %convert_element_type3A_88, %dot_general3A_89 {dimension_numbers = #tpu.dot_dimension_numbers<[1], [0], [0], [1], [0, 0, 1, 1], [], []>, transpose_lhs_hint = false} : vector<1024x256xbf16>, vector<256x128xbf16>, vector<1024x128xf32> -> vector<1024x128xf32>
    %get3A_91 = arith.constant 0 : index
    %get3A_92 = arith.constant 0 : index
    %get3A_93 = vector.load %arg14[%get3A_91, %get3A_92] : memref<1x128xf32, #tpu.memory_space<vmem>>, vector<1x128xf32>
    %add3A_94 = vector.broadcast %get3A_93 : vector<1x128xf32> to vector<1024x128xf32>
    %add3A_95 = arith.addf %dot_general3A_90, %add3A_94 : vector<1024x128xf32>
    %swap3A = arith.constant 0 : index
    %swap3A_96 = arith.constant 0 : index
    %swap3A_97 = vector.load %arg15[%swap3A, %swap3A_96] : memref<1024x128xf32, #tpu.memory_space<vmem>>, vector<1024x128xf32>
    tpu.vector_store %arg15[%swap3A, %swap3A_96], %add3A_33 {strides = array<i32>} : memref<1024x128xf32, #tpu.memory_space<vmem>>, vector<1024x128xf32>,
    %swap3A_98 = arith.constant 0 : index
    %swap3A_99 = arith.constant 0 : index
    %swap3A_100 = vector.load %arg16[%swap3A_98, %swap3A_99] : memref<1024x384xf32, #tpu.memory_space<vmem>>, vector<1024x128xf32>
    tpu.vector_store %arg16[%swap3A_98, %swap3A_99], %add3A_64 {strides = array<i32>} : memref<1024x384xf32, #tpu.memory_space<vmem>>, vector<1024x128xf32>,
    %swap3A_101 = arith.constant 0 : index
    %swap3A_102 = arith.constant 128 : index
    %swap3A_103 = vector.load %arg16[%swap3A_101, %swap3A_102] : memref<1024x384xf32, #tpu.memory_space<vmem>>, vector<1024x128xf32>
    tpu.vector_store %arg16[%swap3A_101, %swap3A_102], %add3A_95 {strides = array<i32>} : memref<1024x384xf32, #tpu.memory_space<vmem>>, vector<1024x128xf32>,
    %broadcast_in_dim3A = arith.constant 0.000000e+00 : f32
    %broadcast_in_dim3A_104 = vector.broadcast %broadcast_in_dim3A : f32 to vector<1024x125xf32>
    %concatenate3A = tpu.concatenate %get3A_3, %broadcast_in_dim3A_104 in 1 : vector<1024x3xf32>, vector<1024x125xf32> -> vector<1024x128xf32>
    %swap3A_105 = arith.constant 0 : index
    %swap3A_106 = arith.constant 256 : index
    %swap3A_107 = vector.load %arg16[%swap3A_105, %swap3A_106] : memref<1024x384xf32, #tpu.memory_space<vmem>>, vector<1024x128xf32>
    tpu.vector_store %arg16[%swap3A_105, %swap3A_106], %concatenate3A {strides = array<i32>} : memref<1024x384xf32, #tpu.memory_space<vmem>>, vector<1024x128xf32>,
    return
  }
  func.func @transform_0(%arg0: i32) -> (i32, i32, i32) {
    %c0_i32 = arith.constant 0 : i32
    %c0_i32_0 = arith.constant 0 : i32
    %c0_i32_1 = arith.constant 0 : i32
    return %c0_i32, %c0_i32_0, %arg0 : i32, i32, i32
  }
  func.func @transform_1(%arg0: i32) -> (i32, i32, i32) {
    %c0_i32 = arith.constant 0 : i32
    %c0_i32_0 = arith.constant 0 : i32
    %c0_i32_1 = arith.constant 0 : i32
    return %c0_i32, %arg0, %c0_i32_0 : i32, i32, i32
  }
  func.func @transform_2(%arg0: i32) -> (i32, i32) {
    %c0_i32 = arith.constant 0 : i32
    %c0_i32_0 = arith.constant 0 : i32
    %c0_i32_1 = arith.constant 0 : i32
    return %c0_i32, %c0_i32_0 : i32, i32
  }
  func.func @transform_3(%arg0: i32) -> (i32, i32) {
    %c0_i32 = arith.constant 0 : i32
    %c0_i32_0 = arith.constant 0 : i32
    %c0_i32_1 = arith.constant 0 : i32
    return %c0_i32, %c0_i32_0 : i32, i32
  }
  func.func @transform_4(%arg0: i32) -> (i32, i32) {
    %c0_i32 = arith.constant 0 : i32
    %c0_i32_0 = arith.constant 0 : i32
    %c0_i32_1 = arith.constant 0 : i32
    return %c0_i32, %c0_i32_0 : i32, i32
  }
  func.func @transform_5(%arg0: i32) -> (i32, i32) {
    %c0_i32 = arith.constant 0 : i32
    %c0_i32_0 = arith.constant 0 : i32
    %c0_i32_1 = arith.constant 0 : i32
    return %c0_i32, %c0_i32_0 : i32, i32
  }
  func.func @transform_6(%arg0: i32) -> (i32, i32) {
    %c0_i32 = arith.constant 0 : i32
    %c0_i32_0 = arith.constant 0 : i32
    %c0_i32_1 = arith.constant 0 : i32
    return %c0_i32, %c0_i32_0 : i32, i32
  }
  func.func @transform_7(%arg0: i32) -> (i32, i32) {
    %c0_i32 = arith.constant 0 : i32
    %c0_i32_0 = arith.constant 0 : i32
    %c0_i32_1 = arith.constant 0 : i32
    return %c0_i32, %c0_i32_0 : i32, i32
  }
  func.func @transform_8(%arg0: i32) -> (i32, i32) {
    %c0_i32 = arith.constant 0 : i32
    %c0_i32_0 = arith.constant 0 : i32
    %c0_i32_1 = arith.constant 0 : i32
    return %c0_i32, %c0_i32_0 : i32, i32
  }
  func.func @transform_9(%arg0: i32) -> (i32, i32) {
    %c0_i32 = arith.constant 0 : i32
    %c0_i32_0 = arith.constant 0 : i32
    %c0_i32_1 = arith.constant 0 : i32
    return %c0_i32, %c0_i32_0 : i32, i32
  }
  func.func @transform_10(%arg0: i32) -> (i32, i32) {
    %c0_i32 = arith.constant 0 : i32
    %c0_i32_0 = arith.constant 0 : i32
    %c0_i32_1 = arith.constant 0 : i32
    return %c0_i32, %c0_i32_0 : i32, i32
  }
  func.func @transform_11(%arg0: i32) -> (i32, i32) {
    %c0_i32 = arith.constant 0 : i32
    %c0_i32_0 = arith.constant 0 : i32
    %c0_i32_1 = arith.constant 0 : i32
    return %c0_i32, %c0_i32_0 : i32, i32
  }
  func.func @transform_12(%arg0: i32) -> (i32, i32) {
    %c0_i32 = arith.constant 0 : i32
    %c0_i32_0 = arith.constant 0 : i32
    %c0_i32_1 = arith.constant 0 : i32
    return %c0_i32, %c0_i32_0 : i32, i32
  }
  func.func @transform_13(%arg0: i32) -> (i32, i32) {
    %c0_i32 = arith.constant 0 : i32
    %c0_i32_0 = arith.constant 0 : i32
    %c0_i32_1 = arith.constant 0 : i32
    return %c0_i32, %c0_i32_0 : i32, i32
  }
  func.func @transform_14(%arg0: i32) -> (i32, i32) {
    %c0_i32 = arith.constant 0 : i32
    %c0_i32_0 = arith.constant 0 : i32
    return %arg0, %c0_i32 : i32, i32
  }
  func.func @transform_15(%arg0: i32) -> (i32, i32) {
    %c0_i32 = arith.constant 0 : i32
    %c0_i32_0 = arith.constant 0 : i32
    return %arg0, %c0_i32 : i32, i32
  }
}

module attributes {stable_mosaic.version = 14 : i64} {
  func.func @_knn_body(%arg0: i32, %arg1: memref<1x512x3xf32, #tpu.memory_space<vmem>>, %arg2: memref<3x8192xf32, #tpu.memory_space<vmem>>, %arg3: memref<512x16xi32, #tpu.memory_space<vmem>>, %arg4: memref<512x64x128xf32, #tpu.memory_space<vmem>>) attributes {dimension_semantics = [#tpu.dimension_semantics<arbitrary>], iteration_bounds = array<i64: 8>, scalar_prefetch = 0 : i64, scratch_operands = 1 : i64, tpu.core_type = #tpu.core_type<tc>, window_params = [{transform_indices = @transform_0, window_bounds = array<i64: 1, 512, 3>}, {pipeline_mode = #tpu.pipeline_mode<synchronous>, transform_indices = @transform_1, window_bounds = array<i64: 3, 8192>}, {transform_indices = @transform_2, window_bounds = array<i64: 512, 16>}]} {
    %get3A = arith.constant 0 : index
    %get3A_0 = arith.constant 0 : index
    %get3A_1 = arith.constant 0 : index
    %get3A_2 = vector.load %arg1[%get3A, %get3A_0, %get3A_1] : memref<1x512x3xf32, #tpu.memory_space<vmem>>, vector<1x512x3xf32>
    %get3A_3 = vector.shape_cast %get3A_2 : vector<1x512x3xf32> to vector<512x3xf32>
    %get3A_4 = arith.constant 0 : index
    %get3A_5 = arith.constant 0 : index
    %get3A_6 = vector.load %arg2[%get3A_4, %get3A_5] : memref<3x8192xf32, #tpu.memory_space<vmem>>, vector<3x8192xf32>
    %mul3A = arith.mulf %get3A_6, %get3A_6 : vector<3x8192xf32>
    %reduce_sum3A = arith.constant dense<0.000000e+00> : vector<8192xf32>
    %reduce_sum3A_7 = vector.multi_reduction <add>, %mul3A, %reduce_sum3A [0] : vector<3x8192xf32> to vector<8192xf32>
    %broadcast_in_dim3A = vector.shape_cast %reduce_sum3A_7 : vector<8192xf32> to vector<1x8192xf32>
    %mul3A_8 = arith.mulf %get3A_3, %get3A_3 : vector<512x3xf32>
    %reduce_sum3A_9 = arith.constant dense<0.000000e+00> : vector<512xf32>
    %reduce_sum3A_10 = vector.multi_reduction <add>, %mul3A_8, %reduce_sum3A_9 [1] : vector<512x3xf32> to vector<512xf32>
    %broadcast_in_dim3A_11 = vector.shape_cast %reduce_sum3A_10 : vector<512xf32> to vector<512x1xf32>
    %convert_element_type3A = arith.truncf %get3A_3 : vector<512x3xf32> to vector<512x3xbf16>
    %convert_element_type3A_12 = arith.truncf %get3A_6 : vector<3x8192xf32> to vector<3x8192xbf16>
    %dot_general3A = arith.constant dense<0.000000e+00> : vector<512x8192xf32>
    %dot_general3A_13 = tpu.matmul %convert_element_type3A, %convert_element_type3A_12, %dot_general3A {dimension_numbers = #tpu.dot_dimension_numbers<[1], [0], [0], [1], [0, 0, 1, 1], [], []>, transpose_lhs_hint = false} : vector<512x3xbf16>, vector<3x8192xbf16>, vector<512x8192xf32> -> vector<512x8192xf32>
    %add3A = vector.broadcast %broadcast_in_dim3A_11 : vector<512x1xf32> to vector<512x8192xf32>
    %add3A_14 = vector.broadcast %broadcast_in_dim3A : vector<1x8192xf32> to vector<512x8192xf32>
    %add3A_15 = arith.addf %add3A, %add3A_14 : vector<512x8192xf32>
    %mul3A_16 = arith.constant 2.000000e+00 : f32
    %mul3A_17 = vector.broadcast %mul3A_16 : f32 to vector<512x8192xf32>
    %mul3A_18 = arith.mulf %mul3A_17, %dot_general3A_13 : vector<512x8192xf32>
    %sub3A = arith.subf %add3A_15, %mul3A_18 : vector<512x8192xf32>
    %reshape3A = vector.shape_cast %sub3A : vector<512x8192xf32> to vector<512x64x128xf32>
    %swap3A = arith.constant 0 : index
    %swap3A_19 = arith.constant 0 : index
    %swap3A_20 = arith.constant 0 : index
    %swap3A_21 = vector.load %arg4[%swap3A, %swap3A_19, %swap3A_20] : memref<512x64x128xf32, #tpu.memory_space<vmem>>, vector<512x64x128xf32>
    tpu.vector_store %arg4[%swap3A, %swap3A_19, %swap3A_20], %reshape3A {strides = array<i32>} : memref<512x64x128xf32, #tpu.memory_space<vmem>>, vector<512x64x128xf32>,
    %iota3A = tpu.iota {dimensions = array<i32: 1>} : vector<512x64x128xi32>
    %iota3A_22 = tpu.iota {dimensions = array<i32: 1>} : vector<512x128xi32>
    %get3A_23 = arith.constant 0 : index
    %get3A_24 = arith.constant 0 : index
    %get3A_25 = arith.constant 0 : index
    %get3A_26 = vector.load %arg4[%get3A_23, %get3A_24, %get3A_25] : memref<512x64x128xf32, #tpu.memory_space<vmem>>, vector<512x64x128xf32>
    %reduce_min3A = arith.constant dense<0x7F800000> : vector<512x128xf32>
    %reduce_min3A_27 = vector.multi_reduction <minimumf>, %get3A_26, %reduce_min3A [1] : vector<512x64x128xf32> to vector<512x128xf32>
    %broadcast_in_dim3A_28 = vector.shape_cast %reduce_min3A_27 : vector<512x128xf32> to vector<512x1x128xf32>
    %eq3A = vector.broadcast %broadcast_in_dim3A_28 : vector<512x1x128xf32> to vector<512x64x128xf32>
    %eq3A_29 = arith.cmpf oeq, %get3A_26, %eq3A : vector<512x64x128xf32>
    %jit3A = arith.constant 64 : i32
    %broadcast_in_dim3A_30 = vector.broadcast %jit3A : i32 to vector<512x64x128xi32>
    %select_n3A = arith.select %eq3A_29, %iota3A, %broadcast_in_dim3A_30 : vector<512x64x128xi1>, vector<512x64x128xi32>
    %reduce_min3A_31 = arith.constant dense<2147483647> : vector<512x128xi32>
    %reduce_min3A_32 = vector.multi_reduction <minsi>, %select_n3A, %reduce_min3A_31 [1] : vector<512x64x128xi32> to vector<512x128xi32>
    %broadcast_in_dim3A_33 = vector.shape_cast %reduce_min3A_32 : vector<512x128xi32> to vector<512x1x128xi32>
    %eq3A_34 = vector.broadcast %broadcast_in_dim3A_33 : vector<512x1x128xi32> to vector<512x64x128xi32>
    %eq3A_35 = arith.cmpi eq, %iota3A, %eq3A_34 : vector<512x64x128xi32>
    %jit3A_36 = arith.constant 0x7F800000 : f32
    %broadcast_in_dim3A_37 = vector.broadcast %jit3A_36 : f32 to vector<512x64x128xf32>
    %select_n3A_38 = arith.select %eq3A_35, %broadcast_in_dim3A_37, %get3A_26 : vector<512x64x128xi1>, vector<512x64x128xf32>
    %swap3A_39 = arith.constant 0 : index
    %swap3A_40 = arith.constant 0 : index
    %swap3A_41 = arith.constant 0 : index
    %swap3A_42 = vector.load %arg4[%swap3A_39, %swap3A_40, %swap3A_41] : memref<512x64x128xf32, #tpu.memory_space<vmem>>, vector<512x64x128xf32>
    tpu.vector_store %arg4[%swap3A_39, %swap3A_40, %swap3A_41], %select_n3A_38 {strides = array<i32>} : memref<512x64x128xf32, #tpu.memory_space<vmem>>, vector<512x64x128xf32>,
    %mul3A_43 = arith.constant 128 : i32
    %mul3A_44 = vector.broadcast %mul3A_43 : i32 to vector<512x128xi32>
    %mul3A_45 = arith.muli %reduce_min3A_32, %mul3A_44 : vector<512x128xi32>
    %add3A_46 = arith.addi %mul3A_45, %iota3A_22 : vector<512x128xi32>
    %get3A_47 = arith.constant 0 : index
    %get3A_48 = arith.constant 0 : index
    %get3A_49 = arith.constant 0 : index
    %get3A_50 = vector.load %arg4[%get3A_47, %get3A_48, %get3A_49] : memref<512x64x128xf32, #tpu.memory_space<vmem>>, vector<512x64x128xf32>
    %reduce_min3A_51 = arith.constant dense<0x7F800000> : vector<512x128xf32>
    %reduce_min3A_52 = vector.multi_reduction <minimumf>, %get3A_50, %reduce_min3A_51 [1] : vector<512x64x128xf32> to vector<512x128xf32>
    %broadcast_in_dim3A_53 = vector.shape_cast %reduce_min3A_52 : vector<512x128xf32> to vector<512x1x128xf32>
    %eq3A_54 = vector.broadcast %broadcast_in_dim3A_53 : vector<512x1x128xf32> to vector<512x64x128xf32>
    %eq3A_55 = arith.cmpf oeq, %get3A_50, %eq3A_54 : vector<512x64x128xf32>
    %jit3A_56 = arith.constant 64 : i32
    %broadcast_in_dim3A_57 = vector.broadcast %jit3A_56 : i32 to vector<512x64x128xi32>
    %select_n3A_58 = arith.select %eq3A_55, %iota3A, %broadcast_in_dim3A_57 : vector<512x64x128xi1>, vector<512x64x128xi32>
    %reduce_min3A_59 = arith.constant dense<2147483647> : vector<512x128xi32>
    %reduce_min3A_60 = vector.multi_reduction <minsi>, %select_n3A_58, %reduce_min3A_59 [1] : vector<512x64x128xi32> to vector<512x128xi32>
    %broadcast_in_dim3A_61 = vector.shape_cast %reduce_min3A_60 : vector<512x128xi32> to vector<512x1x128xi32>
    %eq3A_62 = vector.broadcast %broadcast_in_dim3A_61 : vector<512x1x128xi32> to vector<512x64x128xi32>
    %eq3A_63 = arith.cmpi eq, %iota3A, %eq3A_62 : vector<512x64x128xi32>
    %jit3A_64 = arith.constant 0x7F800000 : f32
    %broadcast_in_dim3A_65 = vector.broadcast %jit3A_64 : f32 to vector<512x64x128xf32>
    %select_n3A_66 = arith.select %eq3A_63, %broadcast_in_dim3A_65, %get3A_50 : vector<512x64x128xi1>, vector<512x64x128xf32>
    %swap3A_67 = arith.constant 0 : index
    %swap3A_68 = arith.constant 0 : index
    %swap3A_69 = arith.constant 0 : index
    %swap3A_70 = vector.load %arg4[%swap3A_67, %swap3A_68, %swap3A_69] : memref<512x64x128xf32, #tpu.memory_space<vmem>>, vector<512x64x128xf32>
    tpu.vector_store %arg4[%swap3A_67, %swap3A_68, %swap3A_69], %select_n3A_66 {strides = array<i32>} : memref<512x64x128xf32, #tpu.memory_space<vmem>>, vector<512x64x128xf32>,
    %mul3A_71 = arith.constant 128 : i32
    %mul3A_72 = vector.broadcast %mul3A_71 : i32 to vector<512x128xi32>
    %mul3A_73 = arith.muli %reduce_min3A_60, %mul3A_72 : vector<512x128xi32>
    %add3A_74 = arith.addi %mul3A_73, %iota3A_22 : vector<512x128xi32>
    %get3A_75 = arith.constant 0 : index
    %get3A_76 = arith.constant 0 : index
    %get3A_77 = arith.constant 0 : index
    %get3A_78 = vector.load %arg4[%get3A_75, %get3A_76, %get3A_77] : memref<512x64x128xf32, #tpu.memory_space<vmem>>, vector<512x64x128xf32>
    %reduce_min3A_79 = arith.constant dense<0x7F800000> : vector<512x128xf32>
    %reduce_min3A_80 = vector.multi_reduction <minimumf>, %get3A_78, %reduce_min3A_79 [1] : vector<512x64x128xf32> to vector<512x128xf32>
    %broadcast_in_dim3A_81 = vector.shape_cast %reduce_min3A_80 : vector<512x128xf32> to vector<512x1x128xf32>
    %eq3A_82 = vector.broadcast %broadcast_in_dim3A_81 : vector<512x1x128xf32> to vector<512x64x128xf32>
    %eq3A_83 = arith.cmpf oeq, %get3A_78, %eq3A_82 : vector<512x64x128xf32>
    %jit3A_84 = arith.constant 64 : i32
    %broadcast_in_dim3A_85 = vector.broadcast %jit3A_84 : i32 to vector<512x64x128xi32>
    %select_n3A_86 = arith.select %eq3A_83, %iota3A, %broadcast_in_dim3A_85 : vector<512x64x128xi1>, vector<512x64x128xi32>
    %reduce_min3A_87 = arith.constant dense<2147483647> : vector<512x128xi32>
    %reduce_min3A_88 = vector.multi_reduction <minsi>, %select_n3A_86, %reduce_min3A_87 [1] : vector<512x64x128xi32> to vector<512x128xi32>
    %broadcast_in_dim3A_89 = vector.shape_cast %reduce_min3A_88 : vector<512x128xi32> to vector<512x1x128xi32>
    %eq3A_90 = vector.broadcast %broadcast_in_dim3A_89 : vector<512x1x128xi32> to vector<512x64x128xi32>
    %eq3A_91 = arith.cmpi eq, %iota3A, %eq3A_90 : vector<512x64x128xi32>
    %jit3A_92 = arith.constant 0x7F800000 : f32
    %broadcast_in_dim3A_93 = vector.broadcast %jit3A_92 : f32 to vector<512x64x128xf32>
    %select_n3A_94 = arith.select %eq3A_91, %broadcast_in_dim3A_93, %get3A_78 : vector<512x64x128xi1>, vector<512x64x128xf32>
    %swap3A_95 = arith.constant 0 : index
    %swap3A_96 = arith.constant 0 : index
    %swap3A_97 = arith.constant 0 : index
    %swap3A_98 = vector.load %arg4[%swap3A_95, %swap3A_96, %swap3A_97] : memref<512x64x128xf32, #tpu.memory_space<vmem>>, vector<512x64x128xf32>
    tpu.vector_store %arg4[%swap3A_95, %swap3A_96, %swap3A_97], %select_n3A_94 {strides = array<i32>} : memref<512x64x128xf32, #tpu.memory_space<vmem>>, vector<512x64x128xf32>,
    %mul3A_99 = arith.constant 128 : i32
    %mul3A_100 = vector.broadcast %mul3A_99 : i32 to vector<512x128xi32>
    %mul3A_101 = arith.muli %reduce_min3A_88, %mul3A_100 : vector<512x128xi32>
    %add3A_102 = arith.addi %mul3A_101, %iota3A_22 : vector<512x128xi32>
    %get3A_103 = arith.constant 0 : index
    %get3A_104 = arith.constant 0 : index
    %get3A_105 = arith.constant 0 : index
    %get3A_106 = vector.load %arg4[%get3A_103, %get3A_104, %get3A_105] : memref<512x64x128xf32, #tpu.memory_space<vmem>>, vector<512x64x128xf32>
    %reduce_min3A_107 = arith.constant dense<0x7F800000> : vector<512x128xf32>
    %reduce_min3A_108 = vector.multi_reduction <minimumf>, %get3A_106, %reduce_min3A_107 [1] : vector<512x64x128xf32> to vector<512x128xf32>
    %broadcast_in_dim3A_109 = vector.shape_cast %reduce_min3A_108 : vector<512x128xf32> to vector<512x1x128xf32>
    %eq3A_110 = vector.broadcast %broadcast_in_dim3A_109 : vector<512x1x128xf32> to vector<512x64x128xf32>
    %eq3A_111 = arith.cmpf oeq, %get3A_106, %eq3A_110 : vector<512x64x128xf32>
    %jit3A_112 = arith.constant 64 : i32
    %broadcast_in_dim3A_113 = vector.broadcast %jit3A_112 : i32 to vector<512x64x128xi32>
    %select_n3A_114 = arith.select %eq3A_111, %iota3A, %broadcast_in_dim3A_113 : vector<512x64x128xi1>, vector<512x64x128xi32>
    %reduce_min3A_115 = arith.constant dense<2147483647> : vector<512x128xi32>
    %reduce_min3A_116 = vector.multi_reduction <minsi>, %select_n3A_114, %reduce_min3A_115 [1] : vector<512x64x128xi32> to vector<512x128xi32>
    %mul3A_117 = arith.constant 128 : i32
    %mul3A_118 = vector.broadcast %mul3A_117 : i32 to vector<512x128xi32>
    %mul3A_119 = arith.muli %reduce_min3A_116, %mul3A_118 : vector<512x128xi32>
    %add3A_120 = arith.addi %mul3A_119, %iota3A_22 : vector<512x128xi32>
    %concatenate3A = tpu.concatenate %reduce_min3A_27, %reduce_min3A_52, %reduce_min3A_80, %reduce_min3A_108 in 1 : vector<512x128xf32>, vector<512x128xf32>, vector<512x128xf32>, vector<512x128xf32> -> vector<512x512xf32>
    %concatenate3A_121 = tpu.concatenate %add3A_46, %add3A_74, %add3A_102, %add3A_120 in 1 : vector<512x128xi32>, vector<512x128xi32>, vector<512x128xi32>, vector<512x128xi32> -> vector<512x512xi32>
    %iota3A_122 = tpu.iota {dimensions = array<i32: 1>} : vector<512x16xi32>
    %broadcast_in_dim3A_123 = arith.constant 0 : i32
    %broadcast_in_dim3A_124 = vector.broadcast %broadcast_in_dim3A_123 : i32 to vector<512x16xi32>
    %scan3A = arith.constant 0x7F800000 : f32
    %scan3A_125 = arith.constant 0 : i32
    %scan3A_126 = arith.constant 16 : i32
    %scan3A_127 = arith.addi %scan3A_125, %scan3A_126 : i32
    %scan3A_128 = arith.constant 1 : i32
    %scan3A_129:2 = scf.for %scan3A_134 = %scan3A_125 to %scan3A_127 step %scan3A_128 iter_args(%scan3A_135 = %concatenate3A, %scan3A_136 = %broadcast_in_dim3A_124) -> (vector<512x512xf32>, vector<512x16xi32>)  : i32 {
      %reduce_min3A_137 = arith.constant dense<0x7F800000> : vector<512xf32>
      %reduce_min3A_138 = vector.multi_reduction <minimumf>, %scan3A_135, %reduce_min3A_137 [1] : vector<512x512xf32> to vector<512xf32>
      %broadcast_in_dim3A_139 = vector.shape_cast %reduce_min3A_138 : vector<512xf32> to vector<512x1xf32>
      %eq3A_140 = vector.broadcast %broadcast_in_dim3A_139 : vector<512x1xf32> to vector<512x512xf32>
      %eq3A_141 = arith.cmpf oeq, %scan3A_135, %eq3A_140 : vector<512x512xf32>
      %jit3A_142 = arith.constant 8192 : i32
      %broadcast_in_dim3A_143 = vector.broadcast %jit3A_142 : i32 to vector<512x512xi32>
      %select_n3A_144 = arith.select %eq3A_141, %concatenate3A_121, %broadcast_in_dim3A_143 : vector<512x512xi1>, vector<512x512xi32>
      %reduce_min3A_145 = arith.constant dense<2147483647> : vector<512xi32>
      %reduce_min3A_146 = vector.multi_reduction <minsi>, %select_n3A_144, %reduce_min3A_145 [1] : vector<512x512xi32> to vector<512xi32>
      %broadcast_in_dim3A_147 = vector.shape_cast %reduce_min3A_146 : vector<512xi32> to vector<512x1xi32>
      %eq3A_148 = vector.broadcast %broadcast_in_dim3A_139 : vector<512x1xf32> to vector<512x512xf32>
      %eq3A_149 = arith.cmpf oeq, %scan3A_135, %eq3A_148 : vector<512x512xf32>
      %eq3A_150 = vector.broadcast %broadcast_in_dim3A_147 : vector<512x1xi32> to vector<512x512xi32>
      %eq3A_151 = arith.cmpi eq, %concatenate3A_121, %eq3A_150 : vector<512x512xi32>
      %and3A = arith.andi %eq3A_149, %eq3A_151 : vector<512x512xi1>
      %broadcast_in_dim3A_152 = vector.broadcast %scan3A : f32 to vector<512x512xf32>
      %select_n3A_153 = arith.select %and3A, %broadcast_in_dim3A_152, %scan3A_135 : vector<512x512xi1>, vector<512x512xf32>
      %eq3A_154 = vector.broadcast %scan3A_134 : i32 to vector<512x16xi32>
      %eq3A_155 = arith.cmpi eq, %iota3A_122, %eq3A_154 : vector<512x16xi32>
      %broadcast_in_dim3A_156 = vector.shape_cast %broadcast_in_dim3A_147 : vector<512x1xi32> to vector<512x1xi32>
      %broadcast_in_dim3A_157 = vector.broadcast %broadcast_in_dim3A_156 : vector<512x1xi32> to vector<512x16xi32>
      %select_n3A_158 = arith.select %eq3A_155, %broadcast_in_dim3A_157, %scan3A_136 : vector<512x16xi1>, vector<512x16xi32>
      scf.yield %select_n3A_153, %select_n3A_158 : vector<512x512xf32>, vector<512x16xi32>
    }
    %scan3A_130 = arith.constant 16 : i32
    %swap3A_131 = arith.constant 0 : index
    %swap3A_132 = arith.constant 0 : index
    %swap3A_133 = vector.load %arg3[%swap3A_131, %swap3A_132] : memref<512x16xi32, #tpu.memory_space<vmem>>, vector<512x16xi32>
    tpu.vector_store %arg3[%swap3A_131, %swap3A_132], %scan3A_129#1 {strides = array<i32>} : memref<512x16xi32, #tpu.memory_space<vmem>>, vector<512x16xi32>,
    return
  }
  func.func @transform_0(%arg0: i32) -> (i32, i32, i32) {
    %add3A = arith.constant 0 : i32
    %add3A_0 = arith.addi %arg0, %add3A : i32
    %c0_i32 = arith.constant 0 : i32
    %c0_i32_1 = arith.constant 0 : i32
    %c0_i32_2 = arith.constant 0 : i32
    return %c0_i32, %add3A_0, %c0_i32_1 : i32, i32, i32
  }
  func.func @transform_1(%arg0: i32) -> (i32, i32) {
    %c0_i32 = arith.constant 0 : i32
    %c0_i32_0 = arith.constant 0 : i32
    %c0_i32_1 = arith.constant 0 : i32
    return %c0_i32, %c0_i32_0 : i32, i32
  }
  func.func @transform_2(%arg0: i32) -> (i32, i32) {
    %c0_i32 = arith.constant 0 : i32
    %c0_i32_0 = arith.constant 0 : i32
    return %arg0, %c0_i32 : i32, i32
  }
}

module attributes {stable_mosaic.version = 14 : i64} {
  func.func @_final_body(%arg0: i32, %arg1: memref<8192x384xf32, #tpu.memory_space<vmem>>, %arg2: memref<1x512x3xf32, #tpu.memory_space<vmem>>, %arg3: memref<512x128xf32, #tpu.memory_space<vmem>>, %arg4: memref<1x32x512xf32, #tpu.memory_space<vmem>>, %arg5: memref<128x32xf32, #tpu.memory_space<vmem>>, %arg6: memref<32x32xf32, #tpu.memory_space<vmem>>, %arg7: memref<128x32xf32, #tpu.memory_space<vmem>>, %arg8: memref<128x32xf32, #tpu.memory_space<vmem>>, %arg9: memref<1x32xf32, #tpu.memory_space<vmem>>, %arg10: memref<1x32x512xf32, #tpu.memory_space<vmem>>) attributes {dimension_semantics = [#tpu.dimension_semantics<arbitrary>], iteration_bounds = array<i64: 8>, scalar_prefetch = 0 : i64, scratch_operands = 0 : i64, tpu.core_type = #tpu.core_type<tc>, window_params = [{transform_indices = @transform_0, window_bounds = array<i64: 8192, 384>}, {transform_indices = @transform_1, window_bounds = array<i64: 1, 512, 3>}, {transform_indices = @transform_2, window_bounds = array<i64: 512, 128>}, {transform_indices = @transform_3, window_bounds = array<i64: 1, 32, 512>}, {pipeline_mode = #tpu.pipeline_mode<synchronous>, transform_indices = @transform_4, window_bounds = array<i64: 128, 32>}, {pipeline_mode = #tpu.pipeline_mode<synchronous>, transform_indices = @transform_5, window_bounds = array<i64: 32, 32>}, {pipeline_mode = #tpu.pipeline_mode<synchronous>, transform_indices = @transform_6, window_bounds = array<i64: 128, 32>}, {pipeline_mode = #tpu.pipeline_mode<synchronous>, transform_indices = @transform_7, window_bounds = array<i64: 128, 32>}, {pipeline_mode = #tpu.pipeline_mode<synchronous>, transform_indices = @transform_8, window_bounds = array<i64: 1, 32>}, {transform_indices = @transform_9, window_bounds = array<i64: 1, 32, 512>}]} {
    %get3A = arith.constant 0 : index
    %get3A_0 = arith.constant 0 : index
    %get3A_1 = vector.load %arg1[%get3A, %get3A_0] : memref<8192x384xf32, #tpu.memory_space<vmem>>, vector<8192x384xf32>
    %slice3A = vector.extract_strided_slice %get3A_1 {offsets = [0, 0], sizes = [8192, 128], strides = [1, 1]} : vector<8192x384xf32> to vector<8192x128xf32>
    %reshape3A = vector.shape_cast %slice3A : vector<8192x128xf32> to vector<512x16x128xf32>
    %slice3A_2 = vector.extract_strided_slice %get3A_1 {offsets = [0, 128], sizes = [8192, 128], strides = [1, 1]} : vector<8192x384xf32> to vector<8192x128xf32>
    %reshape3A_3 = vector.shape_cast %slice3A_2 : vector<8192x128xf32> to vector<512x16x128xf32>
    %slice3A_4 = vector.extract_strided_slice %get3A_1 {offsets = [0, 256], sizes = [8192, 3], strides = [1, 1]} : vector<8192x384xf32> to vector<8192x3xf32>
    %reshape3A_5 = vector.shape_cast %slice3A_4 : vector<8192x3xf32> to vector<512x16x3xf32>
    %get3A_6 = arith.constant 0 : index
    %get3A_7 = arith.constant 0 : index
    %get3A_8 = arith.constant 0 : index
    %get3A_9 = vector.load %arg2[%get3A_6, %get3A_7, %get3A_8] : memref<1x512x3xf32, #tpu.memory_space<vmem>>, vector<1x512x3xf32>
    %get3A_10 = vector.shape_cast %get3A_9 : vector<1x512x3xf32> to vector<512x3xf32>
    %broadcast_in_dim3A = vector.shape_cast %get3A_10 : vector<512x3xf32> to vector<512x1x3xf32>
    %sub3A = vector.broadcast %broadcast_in_dim3A : vector<512x1x3xf32> to vector<512x16x3xf32>
    %sub3A_11 = arith.subf %sub3A, %reshape3A_5 : vector<512x16x3xf32>
    %mul3A = arith.mulf %sub3A_11, %sub3A_11 : vector<512x16x3xf32>
    %reduce_sum3A = arith.constant dense<0.000000e+00> : vector<512x16xf32>
    %reduce_sum3A_12 = vector.multi_reduction <add>, %mul3A, %reduce_sum3A [2] : vector<512x16x3xf32> to vector<512x16xf32>
    %sqrt3A = math.sqrt %reduce_sum3A_12 : vector<512x16xf32>
    %neg3A = arith.constant 0.000000e+00 : f32
    %neg3A_13 = vector.broadcast %neg3A : f32 to vector<512x16xf32>
    %neg3A_14 = arith.subf %neg3A_13, %sqrt3A : vector<512x16xf32>
    %reduce_max3A = arith.constant dense<0xFF800000> : vector<512xf32>
    %reduce_max3A_15 = vector.multi_reduction <maximumf>, %neg3A_14, %reduce_max3A [1] : vector<512x16xf32> to vector<512xf32>
    %broadcast_in_dim3A_16 = vector.shape_cast %reduce_max3A_15 : vector<512xf32> to vector<512x1xf32>
    %sub3A_17 = vector.broadcast %broadcast_in_dim3A_16 : vector<512x1xf32> to vector<512x16xf32>
    %sub3A_18 = arith.subf %neg3A_14, %sub3A_17 : vector<512x16xf32>
    %exp3A = math.exp %sub3A_18 : vector<512x16xf32>
    %reduce_sum3A_19 = arith.constant dense<0.000000e+00> : vector<512xf32>
    %reduce_sum3A_20 = vector.multi_reduction <add>, %exp3A, %reduce_sum3A_19 [1] : vector<512x16xf32> to vector<512xf32>
    %broadcast_in_dim3A_21 = vector.shape_cast %reduce_sum3A_20 : vector<512xf32> to vector<512x1xf32>
    %div3A = vector.broadcast %broadcast_in_dim3A_21 : vector<512x1xf32> to vector<512x16xf32>
    %div3A_22 = arith.divf %exp3A, %div3A : vector<512x16xf32>
    %broadcast_in_dim3A_23 = vector.shape_cast %div3A_22 : vector<512x16xf32> to vector<512x16x1xf32>
    %mul3A_24 = vector.broadcast %broadcast_in_dim3A_23 : vector<512x16x1xf32> to vector<512x16x128xf32>
    %mul3A_25 = arith.mulf %reshape3A, %mul3A_24 : vector<512x16x128xf32>
    %reduce_max3A_26 = arith.constant dense<0xFF800000> : vector<512x128xf32>
    %reduce_max3A_27 = vector.multi_reduction <maximumf>, %mul3A_25, %reduce_max3A_26 [1] : vector<512x16x128xf32> to vector<512x128xf32>
    %mul3A_28 = vector.broadcast %broadcast_in_dim3A_23 : vector<512x16x1xf32> to vector<512x16x128xf32>
    %mul3A_29 = arith.mulf %reshape3A_3, %mul3A_28 : vector<512x16x128xf32>
    %reduce_max3A_30 = arith.constant dense<0xFF800000> : vector<512x128xf32>
    %reduce_max3A_31 = vector.multi_reduction <maximumf>, %mul3A_29, %reduce_max3A_30 [1] : vector<512x16x128xf32> to vector<512x128xf32>
    %get3A_32 = arith.constant 0 : index
    %get3A_33 = arith.constant 0 : index
    %get3A_34 = arith.constant 0 : index
    %get3A_35 = vector.load %arg4[%get3A_32, %get3A_33, %get3A_34] : memref<1x32x512xf32, #tpu.memory_space<vmem>>, vector<1x32x512xf32>
    %get3A_36 = vector.shape_cast %get3A_35 : vector<1x32x512xf32> to vector<32x512xf32>
    %transpose3A = tpu.transpose %get3A_36, [1, 0] : vector<32x512xf32> -> vector<512x32xf32>
    %get3A_37 = arith.constant 0 : index
    %get3A_38 = arith.constant 0 : index
    %get3A_39 = vector.load %arg3[%get3A_37, %get3A_38] : memref<512x128xf32, #tpu.memory_space<vmem>>, vector<512x128xf32>
    %ge3A = arith.constant 0.000000e+00 : f32
    %ge3A_40 = vector.broadcast %ge3A : f32 to vector<512x128xf32>
    %ge3A_41 = arith.cmpf oge, %reduce_max3A_31, %ge3A_40 : vector<512x128xf32>
    %mul3A_42 = arith.constant 0.00999999977 : f32
    %mul3A_43 = vector.broadcast %mul3A_42 : f32 to vector<512x128xf32>
    %mul3A_44 = arith.mulf %mul3A_43, %reduce_max3A_31 : vector<512x128xf32>
    %select_n3A = arith.select %ge3A_41, %reduce_max3A_31, %mul3A_44 : vector<512x128xi1>, vector<512x128xf32>
    %get3A_45 = arith.constant 0 : index
    %get3A_46 = arith.constant 0 : index
    %get3A_47 = vector.load %arg5[%get3A_45, %get3A_46] : memref<128x32xf32, #tpu.memory_space<vmem>>, vector<128x32xf32>
    %convert_element_type3A = arith.truncf %select_n3A : vector<512x128xf32> to vector<512x128xbf16>
    %convert_element_type3A_48 = arith.truncf %get3A_47 : vector<128x32xf32> to vector<128x32xbf16>
    %dot_general3A = arith.constant dense<0.000000e+00> : vector<512x32xf32>
    %dot_general3A_49 = tpu.matmul %convert_element_type3A, %convert_element_type3A_48, %dot_general3A {dimension_numbers = #tpu.dot_dimension_numbers<[1], [0], [0], [1], [0, 0, 1, 1], [], []>, transpose_lhs_hint = false} : vector<512x128xbf16>, vector<128x32xbf16>, vector<512x32xf32> -> vector<512x32xf32>
    %ge3A_50 = arith.constant 0.000000e+00 : f32
    %ge3A_51 = vector.broadcast %ge3A_50 : f32 to vector<512x32xf32>
    %ge3A_52 = arith.cmpf oge, %transpose3A, %ge3A_51 : vector<512x32xf32>
    %mul3A_53 = arith.constant 0.00999999977 : f32
    %mul3A_54 = vector.broadcast %mul3A_53 : f32 to vector<512x32xf32>
    %mul3A_55 = arith.mulf %mul3A_54, %transpose3A : vector<512x32xf32>
    %select_n3A_56 = arith.select %ge3A_52, %transpose3A, %mul3A_55 : vector<512x32xi1>, vector<512x32xf32>
    %get3A_57 = arith.constant 0 : index
    %get3A_58 = arith.constant 0 : index
    %get3A_59 = vector.load %arg6[%get3A_57, %get3A_58] : memref<32x32xf32, #tpu.memory_space<vmem>>, vector<32x32xf32>
    %convert_element_type3A_60 = arith.truncf %select_n3A_56 : vector<512x32xf32> to vector<512x32xbf16>
    %convert_element_type3A_61 = arith.truncf %get3A_59 : vector<32x32xf32> to vector<32x32xbf16>
    %dot_general3A_62 = arith.constant dense<0.000000e+00> : vector<512x32xf32>
    %dot_general3A_63 = tpu.matmul %convert_element_type3A_60, %convert_element_type3A_61, %dot_general3A_62 {dimension_numbers = #tpu.dot_dimension_numbers<[1], [0], [0], [1], [0, 0, 1, 1], [], []>, transpose_lhs_hint = false} : vector<512x32xbf16>, vector<32x32xbf16>, vector<512x32xf32> -> vector<512x32xf32>
    %add3A = arith.addf %dot_general3A_49, %dot_general3A_63 : vector<512x32xf32>
    %ge3A_64 = arith.constant 0.000000e+00 : f32
    %ge3A_65 = vector.broadcast %ge3A_64 : f32 to vector<512x128xf32>
    %ge3A_66 = arith.cmpf oge, %reduce_max3A_27, %ge3A_65 : vector<512x128xf32>
    %mul3A_67 = arith.constant 0.00999999977 : f32
    %mul3A_68 = vector.broadcast %mul3A_67 : f32 to vector<512x128xf32>
    %mul3A_69 = arith.mulf %mul3A_68, %reduce_max3A_27 : vector<512x128xf32>
    %select_n3A_70 = arith.select %ge3A_66, %reduce_max3A_27, %mul3A_69 : vector<512x128xi1>, vector<512x128xf32>
    %get3A_71 = arith.constant 0 : index
    %get3A_72 = arith.constant 0 : index
    %get3A_73 = vector.load %arg7[%get3A_71, %get3A_72] : memref<128x32xf32, #tpu.memory_space<vmem>>, vector<128x32xf32>
    %convert_element_type3A_74 = arith.truncf %select_n3A_70 : vector<512x128xf32> to vector<512x128xbf16>
    %convert_element_type3A_75 = arith.truncf %get3A_73 : vector<128x32xf32> to vector<128x32xbf16>
    %dot_general3A_76 = arith.constant dense<0.000000e+00> : vector<512x32xf32>
    %dot_general3A_77 = tpu.matmul %convert_element_type3A_74, %convert_element_type3A_75, %dot_general3A_76 {dimension_numbers = #tpu.dot_dimension_numbers<[1], [0], [0], [1], [0, 0, 1, 1], [], []>, transpose_lhs_hint = false} : vector<512x128xbf16>, vector<128x32xbf16>, vector<512x32xf32> -> vector<512x32xf32>
    %add3A_78 = arith.addf %add3A, %dot_general3A_77 : vector<512x32xf32>
    %ge3A_79 = arith.constant 0.000000e+00 : f32
    %ge3A_80 = vector.broadcast %ge3A_79 : f32 to vector<512x128xf32>
    %ge3A_81 = arith.cmpf oge, %get3A_39, %ge3A_80 : vector<512x128xf32>
    %mul3A_82 = arith.constant 0.00999999977 : f32
    %mul3A_83 = vector.broadcast %mul3A_82 : f32 to vector<512x128xf32>
    %mul3A_84 = arith.mulf %mul3A_83, %get3A_39 : vector<512x128xf32>
    %select_n3A_85 = arith.select %ge3A_81, %get3A_39, %mul3A_84 : vector<512x128xi1>, vector<512x128xf32>
    %get3A_86 = arith.constant 0 : index
    %get3A_87 = arith.constant 0 : index
    %get3A_88 = vector.load %arg8[%get3A_86, %get3A_87] : memref<128x32xf32, #tpu.memory_space<vmem>>, vector<128x32xf32>
    %convert_element_type3A_89 = arith.truncf %select_n3A_85 : vector<512x128xf32> to vector<512x128xbf16>
    %convert_element_type3A_90 = arith.truncf %get3A_88 : vector<128x32xf32> to vector<128x32xbf16>
    %dot_general3A_91 = arith.constant dense<0.000000e+00> : vector<512x32xf32>
    %dot_general3A_92 = tpu.matmul %convert_element_type3A_89, %convert_element_type3A_90, %dot_general3A_91 {dimension_numbers = #tpu.dot_dimension_numbers<[1], [0], [0], [1], [0, 0, 1, 1], [], []>, transpose_lhs_hint = false} : vector<512x128xbf16>, vector<128x32xbf16>, vector<512x32xf32> -> vector<512x32xf32>
    %add3A_93 = arith.addf %add3A_78, %dot_general3A_92 : vector<512x32xf32>
    %get3A_94 = arith.constant 0 : index
    %get3A_95 = arith.constant 0 : index
    %get3A_96 = vector.load %arg9[%get3A_94, %get3A_95] : memref<1x32xf32, #tpu.memory_space<vmem>>, vector<1x32xf32>
    %add3A_97 = vector.broadcast %get3A_96 : vector<1x32xf32> to vector<512x32xf32>
    %add3A_98 = arith.addf %add3A_93, %add3A_97 : vector<512x32xf32>
    %transpose3A_99 = tpu.transpose %add3A_98, [1, 0] : vector<512x32xf32> -> vector<32x512xf32>
    %swap3A = arith.constant 0 : index
    %swap3A_100 = arith.constant 0 : index
    %swap3A_101 = arith.constant 0 : index
    %swap3A_102 = vector.load %arg10[%swap3A, %swap3A_100, %swap3A_101] : memref<1x32x512xf32, #tpu.memory_space<vmem>>, vector<1x32x512xf32>
    %swap3A_103 = vector.shape_cast %swap3A_102 : vector<1x32x512xf32> to vector<32x512xf32>
    %swap3A_104 = vector.shape_cast %transpose3A_99 : vector<32x512xf32> to vector<1x32x512xf32>
    tpu.vector_store %arg10[%swap3A, %swap3A_100, %swap3A_101], %swap3A_104 {strides = array<i32>} : memref<1x32x512xf32, #tpu.memory_space<vmem>>, vector<1x32x512xf32>,
    return
  }
  func.func @transform_0(%arg0: i32) -> (i32, i32) {
    %c0_i32 = arith.constant 0 : i32
    %c0_i32_0 = arith.constant 0 : i32
    return %arg0, %c0_i32 : i32, i32
  }
  func.func @transform_1(%arg0: i32) -> (i32, i32, i32) {
    %add3A = arith.constant 8 : i32
    %add3A_0 = arith.addi %arg0, %add3A : i32
    %c0_i32 = arith.constant 0 : i32
    %c0_i32_1 = arith.constant 0 : i32
    %c0_i32_2 = arith.constant 0 : i32
    return %c0_i32, %add3A_0, %c0_i32_1 : i32, i32, i32
  }
  func.func @transform_2(%arg0: i32) -> (i32, i32) {
    %add3A = arith.constant 8 : i32
    %add3A_0 = arith.addi %arg0, %add3A : i32
    %c0_i32 = arith.constant 0 : i32
    %c0_i32_1 = arith.constant 0 : i32
    return %add3A_0, %c0_i32 : i32, i32
  }
  func.func @transform_3(%arg0: i32) -> (i32, i32, i32) {
    %add3A = arith.constant 8 : i32
    %add3A_0 = arith.addi %arg0, %add3A : i32
    %c0_i32 = arith.constant 0 : i32
    %c0_i32_1 = arith.constant 0 : i32
    %c0_i32_2 = arith.constant 0 : i32
    return %c0_i32, %c0_i32_1, %add3A_0 : i32, i32, i32
  }
  func.func @transform_4(%arg0: i32) -> (i32, i32) {
    %c0_i32 = arith.constant 0 : i32
    %c0_i32_0 = arith.constant 0 : i32
    %c0_i32_1 = arith.constant 0 : i32
    return %c0_i32, %c0_i32_0 : i32, i32
  }
  func.func @transform_5(%arg0: i32) -> (i32, i32) {
    %c0_i32 = arith.constant 0 : i32
    %c0_i32_0 = arith.constant 0 : i32
    %c0_i32_1 = arith.constant 0 : i32
    return %c0_i32, %c0_i32_0 : i32, i32
  }
  func.func @transform_6(%arg0: i32) -> (i32, i32) {
    %c0_i32 = arith.constant 0 : i32
    %c0_i32_0 = arith.constant 0 : i32
    %c0_i32_1 = arith.constant 0 : i32
    return %c0_i32, %c0_i32_0 : i32, i32
  }
  func.func @transform_7(%arg0: i32) -> (i32, i32) {
    %c0_i32 = arith.constant 0 : i32
    %c0_i32_0 = arith.constant 0 : i32
    %c0_i32_1 = arith.constant 0 : i32
    return %c0_i32, %c0_i32_0 : i32, i32
  }
  func.func @transform_8(%arg0: i32) -> (i32, i32) {
    %c0_i32 = arith.constant 0 : i32
    %c0_i32_0 = arith.constant 0 : i32
    %c0_i32_1 = arith.constant 0 : i32
    return %c0_i32, %c0_i32_0 : i32, i32
  }
  func.func @transform_9(%arg0: i32) -> (i32, i32, i32) {
    %c0_i32 = arith.constant 0 : i32
    %c0_i32_0 = arith.constant 0 : i32
    %c0_i32_1 = arith.constant 0 : i32
    return %c0_i32, %c0_i32_0, %arg0 : i32, i32, i32
  }
}

module attributes {stable_mosaic.version = 14 : i64} {
  func.func @_final_body(%arg0: i32, %arg1: memref<8192x384xf32, #tpu.memory_space<vmem>>, %arg2: memref<1x512x3xf32, #tpu.memory_space<vmem>>, %arg3: memref<512x128xf32, #tpu.memory_space<vmem>>, %arg4: memref<1x32x512xf32, #tpu.memory_space<vmem>>, %arg5: memref<128x32xf32, #tpu.memory_space<vmem>>, %arg6: memref<32x32xf32, #tpu.memory_space<vmem>>, %arg7: memref<128x32xf32, #tpu.memory_space<vmem>>, %arg8: memref<128x32xf32, #tpu.memory_space<vmem>>, %arg9: memref<1x32xf32, #tpu.memory_space<vmem>>, %arg10: memref<1x32x512xf32, #tpu.memory_space<vmem>>) attributes {dimension_semantics = [#tpu.dimension_semantics<arbitrary>], iteration_bounds = array<i64: 8>, scalar_prefetch = 0 : i64, scratch_operands = 0 : i64, tpu.core_type = #tpu.core_type<tc>, window_params = [{transform_indices = @transform_0, window_bounds = array<i64: 8192, 384>}, {transform_indices = @transform_1, window_bounds = array<i64: 1, 512, 3>}, {transform_indices = @transform_2, window_bounds = array<i64: 512, 128>}, {transform_indices = @transform_3, window_bounds = array<i64: 1, 32, 512>}, {pipeline_mode = #tpu.pipeline_mode<synchronous>, transform_indices = @transform_4, window_bounds = array<i64: 128, 32>}, {pipeline_mode = #tpu.pipeline_mode<synchronous>, transform_indices = @transform_5, window_bounds = array<i64: 32, 32>}, {pipeline_mode = #tpu.pipeline_mode<synchronous>, transform_indices = @transform_6, window_bounds = array<i64: 128, 32>}, {pipeline_mode = #tpu.pipeline_mode<synchronous>, transform_indices = @transform_7, window_bounds = array<i64: 128, 32>}, {pipeline_mode = #tpu.pipeline_mode<synchronous>, transform_indices = @transform_8, window_bounds = array<i64: 1, 32>}, {transform_indices = @transform_9, window_bounds = array<i64: 1, 32, 512>}]} {
    %get3A = arith.constant 0 : index
    %get3A_0 = arith.constant 0 : index
    %get3A_1 = vector.load %arg1[%get3A, %get3A_0] : memref<8192x384xf32, #tpu.memory_space<vmem>>, vector<8192x384xf32>
    %slice3A = vector.extract_strided_slice %get3A_1 {offsets = [0, 0], sizes = [8192, 128], strides = [1, 1]} : vector<8192x384xf32> to vector<8192x128xf32>
    %reshape3A = vector.shape_cast %slice3A : vector<8192x128xf32> to vector<512x16x128xf32>
    %slice3A_2 = vector.extract_strided_slice %get3A_1 {offsets = [0, 128], sizes = [8192, 128], strides = [1, 1]} : vector<8192x384xf32> to vector<8192x128xf32>
    %reshape3A_3 = vector.shape_cast %slice3A_2 : vector<8192x128xf32> to vector<512x16x128xf32>
    %slice3A_4 = vector.extract_strided_slice %get3A_1 {offsets = [0, 256], sizes = [8192, 3], strides = [1, 1]} : vector<8192x384xf32> to vector<8192x3xf32>
    %reshape3A_5 = vector.shape_cast %slice3A_4 : vector<8192x3xf32> to vector<512x16x3xf32>
    %get3A_6 = arith.constant 0 : index
    %get3A_7 = arith.constant 0 : index
    %get3A_8 = arith.constant 0 : index
    %get3A_9 = vector.load %arg2[%get3A_6, %get3A_7, %get3A_8] : memref<1x512x3xf32, #tpu.memory_space<vmem>>, vector<1x512x3xf32>
    %get3A_10 = vector.shape_cast %get3A_9 : vector<1x512x3xf32> to vector<512x3xf32>
    %broadcast_in_dim3A = vector.shape_cast %get3A_10 : vector<512x3xf32> to vector<512x1x3xf32>
    %sub3A = vector.broadcast %broadcast_in_dim3A : vector<512x1x3xf32> to vector<512x16x3xf32>
    %sub3A_11 = arith.subf %sub3A, %reshape3A_5 : vector<512x16x3xf32>
    %mul3A = arith.mulf %sub3A_11, %sub3A_11 : vector<512x16x3xf32>
    %reduce_sum3A = arith.constant dense<0.000000e+00> : vector<512x16xf32>
    %reduce_sum3A_12 = vector.multi_reduction <add>, %mul3A, %reduce_sum3A [2] : vector<512x16x3xf32> to vector<512x16xf32>
    %sqrt3A = math.sqrt %reduce_sum3A_12 : vector<512x16xf32>
    %neg3A = arith.constant 0.000000e+00 : f32
    %neg3A_13 = vector.broadcast %neg3A : f32 to vector<512x16xf32>
    %neg3A_14 = arith.subf %neg3A_13, %sqrt3A : vector<512x16xf32>
    %reduce_max3A = arith.constant dense<0xFF800000> : vector<512xf32>
    %reduce_max3A_15 = vector.multi_reduction <maximumf>, %neg3A_14, %reduce_max3A [1] : vector<512x16xf32> to vector<512xf32>
    %broadcast_in_dim3A_16 = vector.shape_cast %reduce_max3A_15 : vector<512xf32> to vector<512x1xf32>
    %sub3A_17 = vector.broadcast %broadcast_in_dim3A_16 : vector<512x1xf32> to vector<512x16xf32>
    %sub3A_18 = arith.subf %neg3A_14, %sub3A_17 : vector<512x16xf32>
    %exp3A = math.exp %sub3A_18 : vector<512x16xf32>
    %reduce_sum3A_19 = arith.constant dense<0.000000e+00> : vector<512xf32>
    %reduce_sum3A_20 = vector.multi_reduction <add>, %exp3A, %reduce_sum3A_19 [1] : vector<512x16xf32> to vector<512xf32>
    %broadcast_in_dim3A_21 = vector.shape_cast %reduce_sum3A_20 : vector<512xf32> to vector<512x1xf32>
    %div3A = vector.broadcast %broadcast_in_dim3A_21 : vector<512x1xf32> to vector<512x16xf32>
    %div3A_22 = arith.divf %exp3A, %div3A : vector<512x16xf32>
    %broadcast_in_dim3A_23 = vector.shape_cast %div3A_22 : vector<512x16xf32> to vector<512x16x1xf32>
    %mul3A_24 = vector.broadcast %broadcast_in_dim3A_23 : vector<512x16x1xf32> to vector<512x16x128xf32>
    %mul3A_25 = arith.mulf %reshape3A, %mul3A_24 : vector<512x16x128xf32>
    %reduce_max3A_26 = arith.constant dense<0xFF800000> : vector<512x128xf32>
    %reduce_max3A_27 = vector.multi_reduction <maximumf>, %mul3A_25, %reduce_max3A_26 [1] : vector<512x16x128xf32> to vector<512x128xf32>
    %mul3A_28 = vector.broadcast %broadcast_in_dim3A_23 : vector<512x16x1xf32> to vector<512x16x128xf32>
    %mul3A_29 = arith.mulf %reshape3A_3, %mul3A_28 : vector<512x16x128xf32>
    %reduce_max3A_30 = arith.constant dense<0xFF800000> : vector<512x128xf32>
    %reduce_max3A_31 = vector.multi_reduction <maximumf>, %mul3A_29, %reduce_max3A_30 [1] : vector<512x16x128xf32> to vector<512x128xf32>
    %get3A_32 = arith.constant 0 : index
    %get3A_33 = arith.constant 0 : index
    %get3A_34 = arith.constant 0 : index
    %get3A_35 = vector.load %arg4[%get3A_32, %get3A_33, %get3A_34] : memref<1x32x512xf32, #tpu.memory_space<vmem>>, vector<1x32x512xf32>
    %get3A_36 = vector.shape_cast %get3A_35 : vector<1x32x512xf32> to vector<32x512xf32>
    %transpose3A = tpu.transpose %get3A_36, [1, 0] : vector<32x512xf32> -> vector<512x32xf32>
    %get3A_37 = arith.constant 0 : index
    %get3A_38 = arith.constant 0 : index
    %get3A_39 = vector.load %arg3[%get3A_37, %get3A_38] : memref<512x128xf32, #tpu.memory_space<vmem>>, vector<512x128xf32>
    %ge3A = arith.constant 0.000000e+00 : f32
    %ge3A_40 = vector.broadcast %ge3A : f32 to vector<512x128xf32>
    %ge3A_41 = arith.cmpf oge, %reduce_max3A_31, %ge3A_40 : vector<512x128xf32>
    %mul3A_42 = arith.constant 0.00999999977 : f32
    %mul3A_43 = vector.broadcast %mul3A_42 : f32 to vector<512x128xf32>
    %mul3A_44 = arith.mulf %mul3A_43, %reduce_max3A_31 : vector<512x128xf32>
    %select_n3A = arith.select %ge3A_41, %reduce_max3A_31, %mul3A_44 : vector<512x128xi1>, vector<512x128xf32>
    %get3A_45 = arith.constant 0 : index
    %get3A_46 = arith.constant 0 : index
    %get3A_47 = vector.load %arg5[%get3A_45, %get3A_46] : memref<128x32xf32, #tpu.memory_space<vmem>>, vector<128x32xf32>
    %convert_element_type3A = arith.truncf %select_n3A : vector<512x128xf32> to vector<512x128xbf16>
    %convert_element_type3A_48 = arith.truncf %get3A_47 : vector<128x32xf32> to vector<128x32xbf16>
    %dot_general3A = arith.constant dense<0.000000e+00> : vector<512x32xf32>
    %dot_general3A_49 = tpu.matmul %convert_element_type3A, %convert_element_type3A_48, %dot_general3A {dimension_numbers = #tpu.dot_dimension_numbers<[1], [0], [0], [1], [0, 0, 1, 1], [], []>, transpose_lhs_hint = false} : vector<512x128xbf16>, vector<128x32xbf16>, vector<512x32xf32> -> vector<512x32xf32>
    %ge3A_50 = arith.constant 0.000000e+00 : f32
    %ge3A_51 = vector.broadcast %ge3A_50 : f32 to vector<512x32xf32>
    %ge3A_52 = arith.cmpf oge, %transpose3A, %ge3A_51 : vector<512x32xf32>
    %mul3A_53 = arith.constant 0.00999999977 : f32
    %mul3A_54 = vector.broadcast %mul3A_53 : f32 to vector<512x32xf32>
    %mul3A_55 = arith.mulf %mul3A_54, %transpose3A : vector<512x32xf32>
    %select_n3A_56 = arith.select %ge3A_52, %transpose3A, %mul3A_55 : vector<512x32xi1>, vector<512x32xf32>
    %get3A_57 = arith.constant 0 : index
    %get3A_58 = arith.constant 0 : index
    %get3A_59 = vector.load %arg6[%get3A_57, %get3A_58] : memref<32x32xf32, #tpu.memory_space<vmem>>, vector<32x32xf32>
    %convert_element_type3A_60 = arith.truncf %select_n3A_56 : vector<512x32xf32> to vector<512x32xbf16>
    %convert_element_type3A_61 = arith.truncf %get3A_59 : vector<32x32xf32> to vector<32x32xbf16>
    %dot_general3A_62 = arith.constant dense<0.000000e+00> : vector<512x32xf32>
    %dot_general3A_63 = tpu.matmul %convert_element_type3A_60, %convert_element_type3A_61, %dot_general3A_62 {dimension_numbers = #tpu.dot_dimension_numbers<[1], [0], [0], [1], [0, 0, 1, 1], [], []>, transpose_lhs_hint = false} : vector<512x32xbf16>, vector<32x32xbf16>, vector<512x32xf32> -> vector<512x32xf32>
    %add3A = arith.addf %dot_general3A_49, %dot_general3A_63 : vector<512x32xf32>
    %ge3A_64 = arith.constant 0.000000e+00 : f32
    %ge3A_65 = vector.broadcast %ge3A_64 : f32 to vector<512x128xf32>
    %ge3A_66 = arith.cmpf oge, %reduce_max3A_27, %ge3A_65 : vector<512x128xf32>
    %mul3A_67 = arith.constant 0.00999999977 : f32
    %mul3A_68 = vector.broadcast %mul3A_67 : f32 to vector<512x128xf32>
    %mul3A_69 = arith.mulf %mul3A_68, %reduce_max3A_27 : vector<512x128xf32>
    %select_n3A_70 = arith.select %ge3A_66, %reduce_max3A_27, %mul3A_69 : vector<512x128xi1>, vector<512x128xf32>
    %get3A_71 = arith.constant 0 : index
    %get3A_72 = arith.constant 0 : index
    %get3A_73 = vector.load %arg7[%get3A_71, %get3A_72] : memref<128x32xf32, #tpu.memory_space<vmem>>, vector<128x32xf32>
    %convert_element_type3A_74 = arith.truncf %select_n3A_70 : vector<512x128xf32> to vector<512x128xbf16>
    %convert_element_type3A_75 = arith.truncf %get3A_73 : vector<128x32xf32> to vector<128x32xbf16>
    %dot_general3A_76 = arith.constant dense<0.000000e+00> : vector<512x32xf32>
    %dot_general3A_77 = tpu.matmul %convert_element_type3A_74, %convert_element_type3A_75, %dot_general3A_76 {dimension_numbers = #tpu.dot_dimension_numbers<[1], [0], [0], [1], [0, 0, 1, 1], [], []>, transpose_lhs_hint = false} : vector<512x128xbf16>, vector<128x32xbf16>, vector<512x32xf32> -> vector<512x32xf32>
    %add3A_78 = arith.addf %add3A, %dot_general3A_77 : vector<512x32xf32>
    %ge3A_79 = arith.constant 0.000000e+00 : f32
    %ge3A_80 = vector.broadcast %ge3A_79 : f32 to vector<512x128xf32>
    %ge3A_81 = arith.cmpf oge, %get3A_39, %ge3A_80 : vector<512x128xf32>
    %mul3A_82 = arith.constant 0.00999999977 : f32
    %mul3A_83 = vector.broadcast %mul3A_82 : f32 to vector<512x128xf32>
    %mul3A_84 = arith.mulf %mul3A_83, %get3A_39 : vector<512x128xf32>
    %select_n3A_85 = arith.select %ge3A_81, %get3A_39, %mul3A_84 : vector<512x128xi1>, vector<512x128xf32>
    %get3A_86 = arith.constant 0 : index
    %get3A_87 = arith.constant 0 : index
    %get3A_88 = vector.load %arg8[%get3A_86, %get3A_87] : memref<128x32xf32, #tpu.memory_space<vmem>>, vector<128x32xf32>
    %convert_element_type3A_89 = arith.truncf %select_n3A_85 : vector<512x128xf32> to vector<512x128xbf16>
    %convert_element_type3A_90 = arith.truncf %get3A_88 : vector<128x32xf32> to vector<128x32xbf16>
    %dot_general3A_91 = arith.constant dense<0.000000e+00> : vector<512x32xf32>
    %dot_general3A_92 = tpu.matmul %convert_element_type3A_89, %convert_element_type3A_90, %dot_general3A_91 {dimension_numbers = #tpu.dot_dimension_numbers<[1], [0], [0], [1], [0, 0, 1, 1], [], []>, transpose_lhs_hint = false} : vector<512x128xbf16>, vector<128x32xbf16>, vector<512x32xf32> -> vector<512x32xf32>
    %add3A_93 = arith.addf %add3A_78, %dot_general3A_92 : vector<512x32xf32>
    %get3A_94 = arith.constant 0 : index
    %get3A_95 = arith.constant 0 : index
    %get3A_96 = vector.load %arg9[%get3A_94, %get3A_95] : memref<1x32xf32, #tpu.memory_space<vmem>>, vector<1x32xf32>
    %add3A_97 = vector.broadcast %get3A_96 : vector<1x32xf32> to vector<512x32xf32>
    %add3A_98 = arith.addf %add3A_93, %add3A_97 : vector<512x32xf32>
    %transpose3A_99 = tpu.transpose %add3A_98, [1, 0] : vector<512x32xf32> -> vector<32x512xf32>
    %swap3A = arith.constant 0 : index
    %swap3A_100 = arith.constant 0 : index
    %swap3A_101 = arith.constant 0 : index
    %swap3A_102 = vector.load %arg10[%swap3A, %swap3A_100, %swap3A_101] : memref<1x32x512xf32, #tpu.memory_space<vmem>>, vector<1x32x512xf32>
    %swap3A_103 = vector.shape_cast %swap3A_102 : vector<1x32x512xf32> to vector<32x512xf32>
    %swap3A_104 = vector.shape_cast %transpose3A_99 : vector<32x512xf32> to vector<1x32x512xf32>
    tpu.vector_store %arg10[%swap3A, %swap3A_100, %swap3A_101], %swap3A_104 {strides = array<i32>} : memref<1x32x512xf32, #tpu.memory_space<vmem>>, vector<1x32x512xf32>,
    return
  }
  func.func @transform_0(%arg0: i32) -> (i32, i32) {
    %c0_i32 = arith.constant 0 : i32
    %c0_i32_0 = arith.constant 0 : i32
    return %arg0, %c0_i32 : i32, i32
  }
  func.func @transform_1(%arg0: i32) -> (i32, i32, i32) {
    %add3A = arith.constant 0 : i32
    %add3A_0 = arith.addi %arg0, %add3A : i32
    %c0_i32 = arith.constant 0 : i32
    %c0_i32_1 = arith.constant 0 : i32
    %c0_i32_2 = arith.constant 0 : i32
    return %c0_i32, %add3A_0, %c0_i32_1 : i32, i32, i32
  }
  func.func @transform_2(%arg0: i32) -> (i32, i32) {
    %add3A = arith.constant 0 : i32
    %add3A_0 = arith.addi %arg0, %add3A : i32
    %c0_i32 = arith.constant 0 : i32
    %c0_i32_1 = arith.constant 0 : i32
    return %add3A_0, %c0_i32 : i32, i32
  }
  func.func @transform_3(%arg0: i32) -> (i32, i32, i32) {
    %add3A = arith.constant 0 : i32
    %add3A_0 = arith.addi %arg0, %add3A : i32
    %c0_i32 = arith.constant 0 : i32
    %c0_i32_1 = arith.constant 0 : i32
    %c0_i32_2 = arith.constant 0 : i32
    return %c0_i32, %c0_i32_1, %add3A_0 : i32, i32, i32
  }
  func.func @transform_4(%arg0: i32) -> (i32, i32) {
    %c0_i32 = arith.constant 0 : i32
    %c0_i32_0 = arith.constant 0 : i32
    %c0_i32_1 = arith.constant 0 : i32
    return %c0_i32, %c0_i32_0 : i32, i32
  }
  func.func @transform_5(%arg0: i32) -> (i32, i32) {
    %c0_i32 = arith.constant 0 : i32
    %c0_i32_0 = arith.constant 0 : i32
    %c0_i32_1 = arith.constant 0 : i32
    return %c0_i32, %c0_i32_0 : i32, i32
  }
  func.func @transform_6(%arg0: i32) -> (i32, i32) {
    %c0_i32 = arith.constant 0 : i32
    %c0_i32_0 = arith.constant 0 : i32
    %c0_i32_1 = arith.constant 0 : i32
    return %c0_i32, %c0_i32_0 : i32, i32
  }
  func.func @transform_7(%arg0: i32) -> (i32, i32) {
    %c0_i32 = arith.constant 0 : i32
    %c0_i32_0 = arith.constant 0 : i32
    %c0_i32_1 = arith.constant 0 : i32
    return %c0_i32, %c0_i32_0 : i32, i32
  }
  func.func @transform_8(%arg0: i32) -> (i32, i32) {
    %c0_i32 = arith.constant 0 : i32
    %c0_i32_0 = arith.constant 0 : i32
    %c0_i32_1 = arith.constant 0 : i32
    return %c0_i32, %c0_i32_0 : i32, i32
  }
  func.func @transform_9(%arg0: i32) -> (i32, i32, i32) {
    %c0_i32 = arith.constant 0 : i32
    %c0_i32_0 = arith.constant 0 : i32
    %c0_i32_1 = arith.constant 0 : i32
    return %c0_i32, %c0_i32_0, %arg0 : i32, i32, i32
  }
}

</mosaic_0001>

<sc_bundles>
// kernel: kernel.12.cloned.1.call-start
scs
__scs_entry_jumppad:
0x0: {  	(pc) =	sbr.rel $0x88, $3  }
0x1: {  	(tag) =	ssettag $0x0;
	lr =	simm.s32 $0x1  }
0x2: {  	[smem:$0x3F91] =	sst lr;
	_ =	strace $0xD0000000  }
0x3: {  	_ = 	snop  }
0x4: {  	_ = 	snop  }
0x5: {  	_ = 	snop  }
0x6: {  	_ = 	snop  }
0x7: {  	_ = 	snop  }
__scs_overlays_trampoline_lowered:
0x8: {  	[smem:$0x3FA0] =	sst s0  }
0x9: {  	[smem:$0x3FA1] =	sst s1  }
0xa: {  	[smem:$0x3FA2] =	sst s2  }
0xb: {  	[smem:$0x3FA3] =	sst s3  }
0xc: {  	[smem:$0x3FA4] =	sst s4  }
0xd: {  	[smem:$0x3FA5] =	sst s5  }
0xe: {  	[smem:$0x3FA6] =	sst s6  }
0xf: {  	[smem:$0x3FA7] =	sst s7  }
0x10: {  	[smem:$0x3FA8] =	sst s8  }
0x11: {  	[smem:$0x3FA9] =	sst s9;
	s0 =	simm.s32 @!p0 $0x0  }
0x12: {  	s1 =	sld [smem:$0x3F8F];
	s0 =	simm.s32 @p0 $0x1  }
0x13: {  	[smem:$0x3FAA] =	sst s0;
	s0 =	simm.s32 @!p1 $0x0  }
0x14: {  	s2 =	sld [smem:$0x3F8E];
	s0 =	simm.s32 @p1 $0x1  }
0x15: {  	[smem:$0x3FAB] =	sst s0;
	s0 =	simm.s32 @!p2 $0x0  }
0x16: {  	s3 =	sld [smem:$0x3FDB];
	s0 =	simm.s32 @p2 $0x1  }
0x17: {  	s4 =	simm.s32 $0x1BF5;
	[smem:$0x3FAD] =	sst s0  }
0x18: {  	s0 =	sld [smem:$0x3F90];
	_ =	swait.ge [sflag:s4], $0x0  }
0x19: {  	s7 =	sld [smem:$0x3F91]  }
0x1a: {  	s8 =	sadd.s32 $0xFFFFE003, lr  }
0x1b: {  	s9 =	sadd.s32 $0xFFFFFEF7, lr;
	s5 =	simm.s32 $0xFFFFFFFF;
	p2 =	slt.u32 s8, $0xFFFFF086  }
0x1c: {  	p1 =	slt.u32 s9, $0xF7A;
	s5 =	simm.s32 @!p2 $0x0  }
0x1d: {  	s5 =	simm.s32 @p1 $0x1;
	p0 =	seq.s32 s7, s2  }
0x1e: {  	s7 =	smul.u32 @!p0 $0xF7A, s2;
	p2 =	seq.s32 @!p0 s5, $0x0  }
0x1f: {  	s9 =	smul.u32 $0xF7A, s1;
	s8 =	simm.s32 @!p0 $0x1BF5;
	p2 =	por !p2, p0  }
0x20: {  	[sflag:s8] =	ssyncset.s32 @!p0 $0xFFFFF086;
	s6 =	sadd.s32 @!p0 s3, s7;
	s7 =	simm.s32 @!p0 $0x108  }
0x21: {  	s3 =	sadd.s32 s3, s9;
	s6 =	sadd.s32 @!p0 $0x88, s6;
	s7 =	simm.s32 @p2 $0x1082  }
0x22: {  	[simem:s7], [sflag:s8] =	dma.local @!p0 [hbm:s6], $0xF7A  }
0x23: {  	s9 =	sor.u32 $0xD0000000, s2;
	s6 =	simm.s32 $0x108;
	_ =	swait.ge @!p0 [sflag:s8], $0x0  }
0x24: {  	s3 =	sadd.s32 $0x88, s3;
	s6 =	simm.s32 @!p1 $0x1082;
	[sflag:s4] =	ssyncset.s32 $0xFFFFF086  }
0x25: {  	[simem:s6], [sflag:s4] =	dma.local [hbm:s3], $0xF7A  }
0x26: {  	[smem:$0x3F91] =	sst s1;
	(tag) =	ssettag s2;
	_ =	strace s9  }
0x27: {  	s1 =	sld [smem:$0x3FA1]  }
0x28: {  	s2 =	sld [smem:$0x3FA2]  }
0x29: {  	s4 =	sld [smem:$0x3FA4]  }
0x2a: {  	p0 =	seq.s32 s5, $0x0;
	s5 =	sld [smem:$0x3FA5]  }
0x2b: {  	s6 =	sld [smem:$0x3FA6]  }
0x2c: {  	s7 =	sld [smem:$0x3FA7]  }
0x2d: {  	s3 =	simm.s32 $0x108;
	s8 =	sld [smem:$0x3FA8]  }
0x2e: {  	s3 =	simm.s32 @!p0 $0x1082;
	s9 =	sld [smem:$0x3FA9]  }
0x2f: {  	lr =	sadd.s32 s0, s3;
	s0 =	sld [smem:$0x3FA0]  }
0x30: {  	s3 =	sld [smem:$0x3FA3]  }
0x31: {  	[smem:$0x3FAC] =	sst s10  }
0x32: {  	s10 =	sld [smem:$0x3FAA];
	_ =	sdelay $0x3  }
0x33: {  	p0 =	seq.s32 s10, $0x1;
	s10 =	sld [smem:$0x3FAC];
	_ =	sdelay $0x3  }
0x34: {  	[smem:$0x3FAC] =	sst s10  }
0x35: {  	s10 =	sld [smem:$0x3FAB];
	_ =	sdelay $0x3  }
0x36: {  	p1 =	seq.s32 s10, $0x1;
	s10 =	sld [smem:$0x3FAC];
	_ =	sdelay $0x3  }
0x37: {  	[smem:$0x3FAC] =	sst s10  }
0x38: {  	s10 =	sld [smem:$0x3FAD]  }
0x39: {  	_ = 	snop;
	(pc) =	sbr.ind lr, $3  }
0x3a: {  	_ = 	snop  }
0x3b: {  	_ = 	snop  }
0x3c: {  	p2 =	seq.s32 s10, $0x1;
	s10 =	sld [smem:$0x3FAC]  }
0x3d: {  	_ =	shalt  }
0x3e: {  	_ =	shalt  }
0x3f: {  	_ =	shalt  }
0x40: {  	_ =	shalt  }
0x41: {  	_ =	shalt  }
0x42: {  	_ =	shalt  }
0x43: {  	_ =	shalt  }
0x44: {  	_ =	shalt  }
0x45: {  	_ =	shalt  }
0x46: {  	_ =	shalt  }
0x47: {  	_ =	shalt  }
0x48: {  	_ =	shalt  }
0x49: {  	_ =	shalt  }
0x4a: {  	_ =	shalt  }
0x4b: {  	_ =	shalt  }
0x4c: {  	_ =	shalt  }
0x4d: {  	_ =	shalt  }
0x4e: {  	_ =	shalt  }
0x4f: {  	_ =	shalt  }
0x50: {  	_ =	shalt  }
0x51: {  	_ =	shalt  }
0x52: {  	_ =	shalt  }
0x53: {  	_ =	shalt  }
0x54: {  	_ =	shalt  }
0x55: {  	_ =	shalt  }
0x56: {  	_ =	shalt  }
0x57: {  	_ =	shalt  }
0x58: {  	_ =	shalt  }
0x59: {  	_ =	shalt  }
0x5a: {  	_ =	shalt  }
0x5b: {  	_ =	shalt  }
0x5c: {  	_ =	shalt  }
0x5d: {  	_ =	shalt  }
0x5e: {  	_ =	shalt  }
0x5f: {  	_ =	shalt  }
0x60: {  	_ =	shalt  }
0x61: {  	_ =	shalt  }
0x62: {  	_ =	shalt  }
0x63: {  	_ =	shalt  }
0x64: {  	_ =	shalt  }
0x65: {  	_ =	shalt  }
0x66: {  	_ =	shalt  }
0x67: {  	_ =	shalt  }
0x68: {  	_ =	shalt  }
0x69: {  	_ =	shalt  }
0x6a: {  	_ =	shalt  }
0x6b: {  	_ =	shalt  }
0x6c: {  	_ =	shalt  }
0x6d: {  	_ =	shalt  }
0x6e: {  	_ =	shalt  }
0x6f: {  	_ =	shalt  }
0x70: {  	_ =	shalt  }
0x71: {  	_ =	shalt  }
0x72: {  	_ =	shalt  }
0x73: {  	_ =	shalt  }
0x74: {  	_ =	shalt  }
0x75: {  	_ =	shalt  }
0x76: {  	_ =	shalt  }
0x77: {  	_ =	shalt  }
0x78: {  	_ =	shalt  }
0x79: {  	_ =	shalt  }
0x7a: {  	_ =	shalt  }
0x7b: {  	_ =	shalt  }
0x7c: {  	_ =	shalt  }
0x7d: {  	_ =	shalt  }
0x7e: {  	_ =	shalt  }
0x7f: {  	_ =	shalt  }
0x80: {  	_ =	shalt  }
0x81: {  	_ =	shalt  }
0x82: {  	_ =	shalt  }
0x83: {  	_ =	shalt  }
0x84: {  	_ =	shalt  }
0x85: {  	_ =	shalt  }
0x86: {  	_ =	shalt  }
0x87: {  	_ =	shalt  }
.Lfunc_end0:
.L_simem_size_0:
called_computation.1_lowered:
.L_overlay_start_0:
0x88: {  	s2 =	sld [smem:$0x3FD9]  }
0x89: {  	s3 =	sld [smem:$0x3FFE];
	_ =	sdelay $0x1  }
0x8a: {  	s1 =	srdreg.scid  }
0x8b: {  	s0 =	sand.u32 $0x1, s1  }
0x8c: {  	s17 =	sshll.u32 s0, $0xA;
	s2 =	sadd.s32 s3, s2  }
0x8d: {  	s2 =	sadd.s32 s2, s17  }
0x8e: {  	[smem:$0x3FB8] =	sst s2  }
0x8f: {  	_ = 	snop  }
0x90: {  	s2 =	sld [smem:$0x3FD0];
	(tm) =	ssettm $0x1  }
0x91: {  	s18 =	sld [smem:$0x3FFB];
	_ =	sdelay $0x3  }
0x92: {  	_ =	strace s18  }
0x93: {  	s3 =	sld [smem:$0x3FFC];
	_ =	sdelay $0x3  }
0x94: {  	_ =	strace s3  }
0x95: {  	s3 =	sld [smem:$0x3FFD];
	_ =	sdelay $0x3  }
0x96: {  	_ =	strace s3  }
0x97: {  	_ =	strace $0x8FFFFFFF  }
0x98: {  	s19 =	sld [smem:$0x3FDB];
	_ =	sdelay $0x1  }
0x99: {  	s4 =	simm.s32 $_scs_section_size  }
0x9a: {  	s5 =	simm.s32 $_size__tile_overlayer_lowered;
	s6 =	simm.s32 $_tile_overlayer_lowered  }
0x9b: {  	s22 =	simm.s32 $0x1BFF;
	s21 =	sshll.u32 s6, $0x1;
	s3 =	sadd.s32 s4, s19  }
0x9c: {  	s7 =	simm.s32 $0x0;
	s20 =	sshll.u32 s5, $0x1;
	s5 =	sadd.s32 s21, s3  }
0x9d: {  	[timem:s7], [sflag:s22] =	dma.local [hbm:s5], s20  }
0x9e: {  	_ =	swait.ge [sflag:s22], s20  }
0x9f: {  	s4 =	ssub.s32 $0x0, s20;
	[sflag:s22] =	ssyncset.done $0x0  }
0xa0: {  	[sflag:s22] =	ssyncadd.s32 s4;
	_ =	sdelay $0x1  }
0xa1: {  	s23 =	simm.s32 $0x1B8B  }
0xa2: {  	_ =	swait.ge [sflag:s23], $0x1  }
0xa3: {  	[sflag:s23] =	ssyncset.done $0x0  }
0xa4: {  	s25 =	simm.s32 $0x1B8E;
	s24 =	sld [smem:$0x3FFE];
	[sflag:s23] =	ssyncadd.s32 $0xFFFFFFFF  }
0xa5: {  	s26 =	simm.s32 $execute0_lowered;
	[smem:$0x3FD2] =	sst s25  }
0xa6: {  	s5 =	sshll.u32 s26, $0x1;
	_ =	strace $0x80000046;
	[dreg:$0x1] =	wrdreg $0xFFFFFFFF  }
0xa7: {  	s28 =	simm.s32 $_size_execute0_lowered;
	s3 =	sadd.s32 s3, s5;
	[dreg:$0x0] =	wrdreg $0x0  }
0xa8: {  	s5 =	sshll.u32 s28, $0x1;
	[dreg:$0x2] =	wrdreg s3  }
0xa9: {  	[dreg:$0x3] =	wrdreg s5  }
0xaa: {  	[dreg:$0x4] =	wrdreg $0xC0  }
0xab: {  	_ =	task [dreg:s7], $0x5FFFF  }
0xac: {  	[dreg:$0x1] =	wrdreg $0xFFFFFFFF  }
0xad: {  	[dreg:$0x0] =	wrdreg $0x60  }
0xae: {  	[dreg:$0x2] =	wrdreg s24  }
0xaf: {  	[dreg:$0x3] =	wrdreg s2  }
0xb0: {  	[dreg:$0x4] =	wrdreg $0xA  }
0xb1: {  	_ =	task.clear_ibuf [dreg:s7], $0x5FFFF;
	_ =	strace $0x90000046  }
0xb2: {  	s29 =	simm.s32 $0xA;
	_ =	strace $0x8000004F  }
0xb3: {  	_ =	swait.ge [sflag:s29], $0x1  }
0xb4: {  	[sflag:s29] =	ssyncadd.s32 $0xFFFFFFFF  }
0xb5: {  	_ =	strace $0x9000004F  }
0xb6: {  	_ =	sfence  }
0xb7: {  	s30 =	sld [smem:$0x0];
	_ =	sdelay $0x2  }
0xb8: {  	s31 =	sshll.u32 s1, $0xD;
	s1 =	sshrl.u32 s1, $0x2  }
0xb9: {  	s3 =	sand.u32 $0x4000, s31;
	s1 =	sadd.s32 s1, s30  }
0xba: {  	s0 =	sor.u32 s3, s0;
	s1 =	sshll.u32 s1, $0x11  }
0xbb: {  	s0 =	sor.u32 s1, s0  }
0xbc: {  	s0 =	sadd.s32 $0x8F2B, s0  }
0xbd: {  	[sflag:s0] =	ssyncadd.remote.s32 $0x1  }
0xbe: {  	_ =	sfence.sel $0xFFFF  }
0xbf: {  	[dreg:$0x0] =	wrdreg $0xFFFFFFFF;
	(pc) =	sbr.abs _section_cstart, $3  }
0xc0: {  	[dreg:$0x1] =	wrdreg $0xFFFFFFFF  }
0xc1: {  	_ =	task.clear_ibuf [dreg:s7], $0x2FFFF;
	_ =	strace $0x9FFFFFFF  }
0xc2: {  	(tm) =	ssettm $0x7FFFFFFF  }
0xc3: {  	_ =	shalt  }
tec
execute0_lowered:
.L_overlay_start_1:
0x0: {  	(tag) =	ssettag $0x1  }
0x1: {  	s7 =	rddreg [dreg:$0x0]  }
0x2: {  	s1 =	rddreg [dreg:$0x1]  }
0x3: {  	s0 =	rddreg [dreg:$0x2];
	s2 =	simm.s32 $0x0  }
0x4: {  	s3 =	srdreg.scid;
	s9 =	simm.s32 $0x5;
	s10 =	simm.s32 $0x4  }
0x5: {  	s11 =	simm.s32 $0x0;
	[smem:$0x7FF] =	sst s2;
	s4 =	sadd.s32 $0x3600, s7  }
0x6: {  	s5 =	sadd.s32 $0x83600, s7;
	s6 =	sand.u32 $0x1, s3;
	s3 =	stileid.u32  }
0x7: {  	_ =	strace $0x80000047;
	s8 =	ssub.s32 $0x2, s6;
	s6 =	sshll.u32 s6, $0x4  }
0x8: {  	v2 =	vlaneseq.u32;
	[dreg:$0x3] =	wrdreg s5;
	s31 =	sshrl.u32 s8, $0x1;
	s6 =	sor.u32 s3, s6  }
0x9: {  	vm0 =	vmmov $0xffff;
	vm1 =	vmmov $0xff;
	v1 =	vshrl.u32 v2, $0x3;
	s8 =	ssub.s32 s8, s31;
	s5 =	sshll.u32 s6, $0x4;
	s6 =	sshll.u32 s6, $0x8  }
0xa: {  	s7 =	sadd.s32 $0x3700, s7;
	v0 =	vand.u32 $0x7, v2;
	v2 =	vor.u32 $0x8, v2;
	v1 =	vmul.u32 $0x8, v1;
	s6 =	sadd.s32 s1, s6;
	s8 =	smax.u32 s8, $0x1  }
.LBB2_1:
0xb: {  	_ =	strace $0x80000048;
	s12 =	simm.s32 $0x10  }
0xc: {  	s13 =	simm.s32 $0x0;
	s14 =	simm.s32 $0x0;
	s15 =	simm.s32 $0x0  }
0xd: {  	[tilespmem:s2], [sflag:$0x1] =	stream.linear.gather [hbm4b:s6+s2], $0x80, $0x200038;
	[tilespmem:$0x18100] =	vst v63  }
0xe: {  	s16 =	simm.s32 $0x0;
	s17 =	simm.s32 $0x1;
	_ =	strace $0x90000048  }
.LBB2_2:
0xf: {  	s18 =	smov.u32 s13;
	s13 =	sadd.s32 $0x1, s13  }
0x10: {  	p0 =	seq.s32 s13, $0x10  }
0x11: {  	s13 =	simm.s32 @p0 $0x0  }
0x12: {  	p6 =	sne.s32 s12, $0x1;
	p1 =	sne.s32 s18, s13  }
0x13: {  	p0 =	por !p6, !p1  }
0x14: {  	p0 =	por !p0, !p0  }
0x15: {  	s19 =	sadd.s32 @p0 s5, s13  }
0x16: {  	s20 =	sand.u32 @p0 $0x1, s17;
	s19 =	sshll.u32 @p0 s19, $0x4  }
0x17: {  	_ =	strace @p0 $0x80000049;
	s22 =	simm.s32 @p0 $0x0;
	s19 =	sand.u32 @p0 $0x1FFFFFF0, s19  }
0x18: {  	s21 =	sshll.u32 @p0 s20, $0x7;
	s20 =	sadd.s32 @p0 $0x1, s20;
	s19 =	sadd.s32 @p0 s1, s19  }
0x19: {  	[tilespmem:s21], [sflag:s20] =	stream.linear.gather @p0 [hbm4b:s19+s22], $0x80, $0x200038;
	[tilespmem:$0x18100] =	vst v63  }
0x1a: {  	s28 =	sand.u32 $0x1, s16;
	_ =	strace @p0 $0x90000049  }
0x1b: {  	s19 =	sadd.s32 $0x1, s28;
	_ =	strace $0x8000004A  }
0x1c: {  	_ =	swait.ge [sflag:s19], $0x80  }
0x1d: {  	[sflag:s19] =	ssyncset.done $0x0  }
0x1e: {  	[sflag:s19] =	ssyncadd.s32 $0xFFFFFF80  }
0x1f: {  	s29 =	sshll.u32 s16, $0x7;
	_ =	strace $0x9000004A  }
0x20: {  	s22 =	sand.u32 $0x80, s29;
	_ =	strace $0x8000004B  }
0x21: {  	v3 =	vld [tilespmem:s22+$0x0];
	_ =	sdelay $0x4  }
0x22: {  	v4 =	vshrl.u32 v3, $0x3  }
0x23: {  	v4 =	vmul.u32 $0x18, v4  }
0x24: {  	v3 =	vand.u32 $0x7, v3  }
0x25: {  	v3 =	vor.u32 v3, v4  }
0x26: {  	v4 =	vperm.xlane v3, v0;
	_ =	sdelay $0x1  }
0x27: {  	s19 =	sand.u32 $0x1, s15;
	v4 =	vadd.s32 v1, v4  }
0x28: {  	s30 =	smul.u32 $0x30000, s19  }
0x29: {  	v3 =	vperm.xlane v3, v2  }
0x2a: {  	s21 =	sshrl.u32 s30, $0x2  }
0x2b: {  	s20 =	sor.u32 $0x100, s21;
	v3 =	vadd.s32 v1, v3  }
0x2c: {  	[tilespmem:s20], [sflag:$0x5] =	stream.indirect_vreg.gather [hbm4b:s4+s2], $0x80, v4, vm0, $0x2000b8;
	[tilespmem:$0x18100] =	vst v63  }
0x2d: {  	s23 =	sor.u32 $0x900, s21  }
0x2e: {  	[tilespmem:s23], [sflag:$0x5] =	stream.indirect_vreg.gather [hbm4b:s7+s2], $0x80, v4, vm1, $0x2000b8;
	[tilespmem:$0x18100] =	vst v63  }
0x2f: {  	s31 =	sor.u32 $0xD00, s21  }
0x30: {  	[tilespmem:s31], [sflag:$0x5] =	stream.indirect_vreg.gather [hbm4b:s4+s2], $0x80, v3, vm0, $0x2000b8;
	[tilespmem:$0x18100] =	vst v63  }
0x31: {  	s24 =	sor.u32 $0x1500, s21  }
0x32: {  	[tilespmem:s24], [sflag:$0x5] =	stream.indirect_vreg.gather [hbm4b:s7+s2], $0x80, v3, vm1, $0x2000b8;
	[tilespmem:$0x18100] =	vst v63  }
0x33: {  	v3 =	vld [tilespmem:s22+$0x10];
	_ =	sdelay $0x4  }
0x34: {  	v57 =	vshrl.u32 v3, $0x3  }
0x35: {  	v4 =	vmul.u32 $0x18, v57  }
0x36: {  	v3 =	vand.u32 $0x7, v3  }
0x37: {  	v3 =	vor.u32 v3, v4  }
0x38: {  	v4 =	vperm.xlane v3, v0;
	_ =	sdelay $0x1  }
0x39: {  	v4 =	vadd.s32 v1, v4;
	_ =	sdelay $0x1  }
0x3a: {  	v3 =	vperm.xlane v3, v2;
	_ =	sdelay $0x1  }
0x3b: {  	s25 =	sor.u32 $0x1900, s21;
	v3 =	vadd.s32 v1, v3  }
0x3c: {  	[tilespmem:s25], [sflag:$0x5] =	stream.indirect_vreg.gather [hbm4b:s4+s2], $0x80, v4, vm0, $0x2000b8;
	[tilespmem:$0x18100] =	vst v63  }
0x3d: {  	s26 =	sor.u32 $0x2100, s21  }
0x3e: {  	[tilespmem:s26], [sflag:$0x5] =	stream.indirect_vreg.gather [hbm4b:s7+s2], $0x80, v4, vm1, $0x2000b8;
	[tilespmem:$0x18100] =	vst v63  }
0x3f: {  	s28 =	sor.u32 $0x2500, s21  }
0x40: {  	[tilespmem:s28], [sflag:$0x5] =	stream.indirect_vreg.gather [hbm4b:s4+s2], $0x80, v3, vm0, $0x2000b8;
	[tilespmem:$0x18100] =	vst v63  }
0x41: {  	s29 =	sor.u32 $0x2D00, s21  }
0x42: {  	[tilespmem:s29], [sflag:$0x5] =	stream.indirect_vreg.gather [hbm4b:s7+s2], $0x80, v3, vm1, $0x2000b8;
	[tilespmem:$0x18100] =	vst v63  }
0x43: {  	v3 =	vld [tilespmem:s22+$0x20];
	_ =	sdelay $0x4  }
0x44: {  	v58 =	vshrl.u32 v3, $0x3  }
0x45: {  	v4 =	vmul.u32 $0x18, v58  }
0x46: {  	v3 =	vand.u32 $0x7, v3  }
0x47: {  	v3 =	vor.u32 v3, v4  }
0x48: {  	v4 =	vperm.xlane v3, v0;
	_ =	sdelay $0x1  }
0x49: {  	v4 =	vadd.s32 v1, v4;
	_ =	sdelay $0x1  }
0x4a: {  	v3 =	vperm.xlane v3, v2;
	_ =	sdelay $0x1  }
0x4b: {  	s30 =	sor.u32 $0x3100, s21;
	v3 =	vadd.s32 v1, v3  }
0x4c: {  	[tilespmem:s30], [sflag:$0x5] =	stream.indirect_vreg.gather [hbm4b:s4+s2], $0x80, v4, vm0, $0x2000b8;
	[tilespmem:$0x18100] =	vst v63  }
0x4d: {  	s31 =	sor.u32 $0x3900, s21  }
0x4e: {  	[tilespmem:s31], [sflag:$0x5] =	stream.indirect_vreg.gather [hbm4b:s7+s2], $0x80, v4, vm1, $0x2000b8;
	[tilespmem:$0x18100] =	vst v63  }
0x4f: {  	s24 =	sor.u32 $0x3D00, s21  }
0x50: {  	[tilespmem:s24], [sflag:$0x5] =	stream.indirect_vreg.gather [hbm4b:s4+s2], $0x80, v3, vm0, $0x2000b8;
	[tilespmem:$0x18100] =	vst v63  }
0x51: {  	s25 =	sadd.s32 $0x4500, s21  }
0x52: {  	[tilespmem:s25], [sflag:$0x5] =	stream.indirect_vreg.gather [hbm4b:s7+s2], $0x80, v3, vm1, $0x2000b8;
	[tilespmem:$0x18100] =	vst v63  }
0x53: {  	v3 =	vld [tilespmem:s22+$0x30];
	_ =	sdelay $0x4  }
0x54: {  	v59 =	vshrl.u32 v3, $0x3  }
0x55: {  	v4 =	vmul.u32 $0x18, v59  }
0x56: {  	v3 =	vand.u32 $0x7, v3  }
0x57: {  	v3 =	vor.u32 v3, v4  }
0x58: {  	v4 =	vperm.xlane v3, v0;
	_ =	sdelay $0x1  }
0x59: {  	v4 =	vadd.s32 v1, v4;
	_ =	sdelay $0x1  }
0x5a: {  	v3 =	vperm.xlane v3, v2;
	_ =	sdelay $0x1  }
0x5b: {  	s26 =	sadd.s32 $0x4900, s21;
	v3 =	vadd.s32 v1, v3  }
0x5c: {  	[tilespmem:s26], [sflag:$0x5] =	stream.indirect_vreg.gather [hbm4b:s4+s2], $0x80, v4, vm0, $0x2000b8;
	[tilespmem:$0x18100] =	vst v63  }
0x5d: {  	s28 =	sadd.s32 $0x5100, s21  }
0x5e: {  	[tilespmem:s28], [sflag:$0x5] =	stream.indirect_vreg.gather [hbm4b:s7+s2], $0x80, v4, vm1, $0x2000b8;
	[tilespmem:$0x18100] =	vst v63  }
0x5f: {  	s29 =	sadd.s32 $0x5500, s21  }
0x60: {  	[tilespmem:s29], [sflag:$0x5] =	stream.indirect_vreg.gather [hbm4b:s4+s2], $0x80, v3, vm0, $0x2000b8;
	[tilespmem:$0x18100] =	vst v63  }
0x61: {  	s30 =	sadd.s32 $0x5D00, s21  }
0x62: {  	[tilespmem:s30], [sflag:$0x5] =	stream.indirect_vreg.gather [hbm4b:s7+s2], $0x80, v3, vm1, $0x2000b8;
	[tilespmem:$0x18100] =	vst v63  }
0x63: {  	v3 =	vld [tilespmem:s22+$0x40];
	_ =	sdelay $0x4  }
0x64: {  	v60 =	vshrl.u32 v3, $0x3  }
0x65: {  	v4 =	vmul.u32 $0x18, v60  }
0x66: {  	v3 =	vand.u32 $0x7, v3  }
0x67: {  	v3 =	vor.u32 v3, v4  }
0x68: {  	v4 =	vperm.xlane v3, v0;
	_ =	sdelay $0x1  }
0x69: {  	v4 =	vadd.s32 v1, v4;
	_ =	sdelay $0x1  }
0x6a: {  	v3 =	vperm.xlane v3, v2;
	_ =	sdelay $0x1  }
0x6b: {  	s31 =	sadd.s32 $0x6100, s21;
	v3 =	vadd.s32 v1, v3  }
0x6c: {  	[tilespmem:s31], [sflag:$0x5] =	stream.indirect_vreg.gather [hbm4b:s4+s2], $0x80, v4, vm0, $0x2000b8;
	[tilespmem:$0x18100] =	vst v63  }
0x6d: {  	s24 =	sadd.s32 $0x6900, s21  }
0x6e: {  	[tilespmem:s24], [sflag:$0x5] =	stream.indirect_vreg.gather [hbm4b:s7+s2], $0x80, v4, vm1, $0x2000b8;
	[tilespmem:$0x18100] =	vst v63  }
0x6f: {  	s25 =	sadd.s32 $0x6D00, s21  }
0x70: {  	[tilespmem:s25], [sflag:$0x5] =	stream.indirect_vreg.gather [hbm4b:s4+s2], $0x80, v3, vm0, $0x2000b8;
	[tilespmem:$0x18100] =	vst v63  }
0x71: {  	s26 =	sadd.s32 $0x7500, s21  }
0x72: {  	[tilespmem:s26], [sflag:$0x5] =	stream.indirect_vreg.gather [hbm4b:s7+s2], $0x80, v3, vm1, $0x2000b8;
	[tilespmem:$0x18100] =	vst v63  }
0x73: {  	v3 =	vld [tilespmem:s22+$0x50];
	_ =	sdelay $0x4  }
0x74: {  	v61 =	vshrl.u32 v3, $0x3  }
0x75: {  	v4 =	vmul.u32 $0x18, v61  }
0x76: {  	v3 =	vand.u32 $0x7, v3  }
0x77: {  	v3 =	vor.u32 v3, v4  }
0x78: {  	v4 =	vperm.xlane v3, v0;
	_ =	sdelay $0x1  }
0x79: {  	v4 =	vadd.s32 v1, v4;
	_ =	sdelay $0x1  }
0x7a: {  	v3 =	vperm.xlane v3, v2;
	_ =	sdelay $0x1  }
0x7b: {  	s28 =	sadd.s32 $0x7900, s21;
	v3 =	vadd.s32 v1, v3  }
0x7c: {  	[tilespmem:s28], [sflag:$0x5] =	stream.indirect_vreg.gather [hbm4b:s4+s2], $0x80, v4, vm0, $0x2000b8;
	[tilespmem:$0x18100] =	vst v63  }
0x7d: {  	s29 =	sadd.s32 $0x8100, s21  }
0x7e: {  	[tilespmem:s29], [sflag:$0x5] =	stream.indirect_vreg.gather [hbm4b:s7+s2], $0x80, v4, vm1, $0x2000b8;
	[tilespmem:$0x18100] =	vst v63  }
0x7f: {  	s30 =	sadd.s32 $0x8500, s21  }
0x80: {  	[tilespmem:s30], [sflag:$0x5] =	stream.indirect_vreg.gather [hbm4b:s4+s2], $0x80, v3, vm0, $0x2000b8;
	[tilespmem:$0x18100] =	vst v63  }
0x81: {  	s31 =	sadd.s32 $0x8D00, s21  }
0x82: {  	[tilespmem:s31], [sflag:$0x5] =	stream.indirect_vreg.gather [hbm4b:s7+s2], $0x80, v3, vm1, $0x2000b8;
	[tilespmem:$0x18100] =	vst v63  }
0x83: {  	v3 =	vld [tilespmem:s22+$0x60];
	_ =	sdelay $0x4  }
0x84: {  	v62 =	vshrl.u32 v3, $0x3  }
0x85: {  	v4 =	vmul.u32 $0x18, v62  }
0x86: {  	v3 =	vand.u32 $0x7, v3  }
0x87: {  	v3 =	vor.u32 v3, v4  }
0x88: {  	v4 =	vperm.xlane v3, v0;
	_ =	sdelay $0x1  }
0x89: {  	v4 =	vadd.s32 v1, v4;
	_ =	sdelay $0x1  }
0x8a: {  	v3 =	vperm.xlane v3, v2;
	_ =	sdelay $0x1  }
0x8b: {  	s24 =	sadd.s32 $0x9100, s21;
	v3 =	vadd.s32 v1, v3  }
0x8c: {  	[tilespmem:s24], [sflag:$0x5] =	stream.indirect_vreg.gather [hbm4b:s4+s2], $0x80, v4, vm0, $0x2000b8;
	[tilespmem:$0x18100] =	vst v63  }
0x8d: {  	s25 =	sadd.s32 $0x9900, s21  }
0x8e: {  	[tilespmem:s25], [sflag:$0x5] =	stream.indirect_vreg.gather [hbm4b:s7+s2], $0x80, v4, vm1, $0x2000b8;
	[tilespmem:$0x18100] =	vst v63  }
0x8f: {  	s26 =	sadd.s32 $0x9D00, s21  }
0x90: {  	[tilespmem:s26], [sflag:$0x5] =	stream.indirect_vreg.gather [hbm4b:s4+s2], $0x80, v3, vm0, $0x2000b8;
	[tilespmem:$0x18100] =	vst v63  }
0x91: {  	s28 =	sadd.s32 $0xA500, s21  }
0x92: {  	[tilespmem:s28], [sflag:$0x5] =	stream.indirect_vreg.gather [hbm4b:s7+s2], $0x80, v3, vm1, $0x2000b8;
	[tilespmem:$0x18100] =	vst v63  }
0x93: {  	v3 =	vld [tilespmem:s22+$0x70];
	_ =	sdelay $0x4  }
0x94: {  	v63 =	vshrl.u32 v3, $0x3  }
0x95: {  	v4 =	vmul.u32 $0x18, v63  }
0x96: {  	v3 =	vand.u32 $0x7, v3  }
0x97: {  	v3 =	vor.u32 v3, v4  }
0x98: {  	v4 =	vperm.xlane v3, v0;
	_ =	sdelay $0x1  }
0x99: {  	v4 =	vadd.s32 v1, v4;
	_ =	sdelay $0x1  }
0x9a: {  	v3 =	vperm.xlane v3, v2;
	_ =	sdelay $0x1  }
0x9b: {  	s29 =	sadd.s32 $0xA900, s21;
	v3 =	vadd.s32 v1, v3  }
0x9c: {  	[tilespmem:s29], [sflag:$0x5] =	stream.indirect_vreg.gather [hbm4b:s4+s2], $0x80, v4, vm0, $0x2000b8;
	[tilespmem:$0x18100] =	vst v63  }
0x9d: {  	s30 =	sadd.s32 $0xB100, s21  }
0x9e: {  	[tilespmem:s30], [sflag:$0x5] =	stream.indirect_vreg.gather [hbm4b:s7+s2], $0x80, v4, vm1, $0x2000b8;
	[tilespmem:$0x18100] =	vst v63  }
0x9f: {  	s31 =	sadd.s32 $0xB500, s21  }
0xa0: {  	[tilespmem:s31], [sflag:$0x5] =	stream.indirect_vreg.gather [hbm4b:s4+s2], $0x80, v3, vm0, $0x2000b8;
	[tilespmem:$0x18100] =	vst v63  }
0xa1: {  	s21 =	sadd.s32 $0xBD00, s21  }
0xa2: {  	[tilespmem:s21], [sflag:$0x5] =	stream.indirect_vreg.gather [hbm4b:s7+s2], $0x80, v3, vm1, $0x2000b8;
	[tilespmem:$0x18100] =	vst v63  }
0xa3: {  	_ =	swait.ge [sflag:s9], $0xC000  }
0xa4: {  	[sflag:s9] =	ssyncset.done $0x0  }
0xa5: {  	p2 =	seq.s32 s12, $0x1;
	[sflag:s9] =	ssyncadd.s32 $0xFFFF4000  }
0xa6: {  	s18 =	sadd.s32 s5, s18;
	p1 =	por p2, p1;
	_ =	strace $0x9000004B  }
0xa7: {  	s18 =	smul.u32 @p1 $0x1800, s18;
	s22 =	simm.s32 $0x1;
	_ =	strace @p1 $0x8000004C  }
0xa8: {  	s19 =	sadd.s32 @p1 $0x3, s19;
	s22 =	simm.s32 @!p0 $0x0;
	s21 =	rddreg [dreg:$0x3]  }
0xa9: {  	p0 =	seq.s32 s12, $0x10;
	s18 =	sadd.s32 @p1 s21, s18;
	s21 =	simm.s32 @p1 $0x0  }
0xaa: {  	[hbm4b:s18+s21] =	stream.linear.scatter @p1 [tilespmem:s20], [sflag:s19], $0xC000, $0x200038;
	[tilespmem:$0x18100] =	vst v63  }
0xab: {  	s18 =	simm.s32 $0x1;
	s20 =	simm.s32 $0x1;
	_ =	strace @p1 $0x9000004C  }
0xac: {  	s18 =	simm.s32 @!p1 $0x0;
	p1 =	sne.s32 s12, $0x10;
	s12 =	sadd.s32 $0xFFFFFFFF, s12  }
0xad: {  	s19 =	sand.u32 @!p0 $0x1, s14;
	s20 =	simm.s32 @!p1 $0x0;
	p1 =	sne.s32 s12, $0x0  }
.Ltmp0:
0xae: {  	s19 =	sadd.s32 @!p0 $0x3, s19;
	_ =	strace @!p0 $0x8000004D;
	(pc) =	sbr.rel @p1 .LBB2_2-.Ltmp0, $4  }
0xaf: {  	_ =	swait.ge @!p0 [sflag:s19], $0xC000  }
0xb0: {  	[sflag:s19] =	ssyncset.done @!p0 $0x0  }
0xb1: {  	s17 =	sadd.s32 s22, s17;
	s15 =	sadd.s32 s18, s15;
	[sflag:s19] =	ssyncadd.s32 @!p0 $0xFFFF4000  }
0xb2: {  	s16 =	sadd.s32 s18, s16;
	s14 =	sadd.s32 s20, s14;
	_ =	strace @!p0 $0x9000004D  }
0xb3: {  	s11 =	sadd.s32 $0x1, s11  }
0xb4: {  	p0 =	sne.s32 s11, s8  }
.Ltmp1:
0xb5: {  	_ =	strace $0x8000004E;
	(pc) =	sbr.rel @p0 .LBB2_1-.Ltmp1, $4  }
0xb6: {  	_ =	swait.ge [sflag:s10], $0xC000  }
0xb7: {  	[sflag:s10] =	ssyncset.done $0x0  }
0xb8: {  	[sflag:s10] =	ssyncadd.s32 $0xFFFF4000  }
0xb9: {  	_ =	strace $0x9000004E  }
0xba: {  	_ =	sfence.sel $0x180000  }
0xbb: {  	[bflag:$0x0] =	sbarrier.arrive $0xFFFF  }
0xbc: {  	p0 =	sne.s32 s3, $0x0;
	_ =	strace $0x90000047  }
0xbd: {  	s0 =	sadd.s32 @!p0 $0x100000, s0;
	[bflag:$0x2] =	sbarrier.arrive $0xFFFF  }
0xbe: {  	[sflag:s0] =	ssyncadd.tile.s32 @!p0 $0x1;
	_ =	shalt  }
.Lfunc_end2:
_tile_overlayer_lowered:
.L_overlay_start_2:
0xbf: {  	(tag) =	ssettag $0x2  }
0xc0: {  	s0 =	rddreg [dreg:$0x0];
	s2 =	stileid.u32  }
0xc1: {  	s1 =	rddreg [dreg:$0x1];
	p0 =	sne.s32 s2, $0x0  }
0xc2: {  	s3 =	rddreg [dreg:$0x2];
	[bflag:$0x3] =	sbarrier.arrive $0xFFFF;
	s2 =	simm.s32 @!p0 $0x1C01  }
0xc3: {  	[timem:s3], [sflag:s2] =	dma.local @!p0 [hbm:s0], s1  }
0xc4: {  	s0 =	simm.s32 @!p0 $0x1  }
0xc5: {  	_ =	swait.ge @!p0 [sflag:s0], s1  }
0xc6: {  	s1 =	ssub.s32 @!p0 $0x0, s1;
	[sflag:s0] =	ssyncset.done @!p0 $0x0  }
0xc7: {  	[sflag:s0] =	ssyncadd.s32 @!p0 s1  }
0xc8: {  	[bflag:$0x3] =	sbarrier.arrive $0xFFFF  }
0xc9: {  	_ =	shalt  }

// kernel: kernel.9.cloned.1.call-start
scs
__scs_entry_jumppad:
0x0: {  	(pc) =	sbr.rel $0x88, $3  }
0x1: {  	(tag) =	ssettag $0x0;
	lr =	simm.s32 $0x1  }
0x2: {  	[smem:$0x3F91] =	sst lr;
	_ =	strace $0xD0000000  }
0x3: {  	_ = 	snop  }
0x4: {  	_ = 	snop  }
0x5: {  	_ = 	snop  }
0x6: {  	_ = 	snop  }
0x7: {  	_ = 	snop  }
__scs_overlays_trampoline_lowered:
0x8: {  	[smem:$0x3FA0] =	sst s0  }
0x9: {  	[smem:$0x3FA1] =	sst s1  }
0xa: {  	[smem:$0x3FA2] =	sst s2  }
0xb: {  	[smem:$0x3FA3] =	sst s3  }
0xc: {  	[smem:$0x3FA4] =	sst s4  }
0xd: {  	[smem:$0x3FA5] =	sst s5  }
0xe: {  	[smem:$0x3FA6] =	sst s6  }
0xf: {  	[smem:$0x3FA7] =	sst s7  }
0x10: {  	[smem:$0x3FA8] =	sst s8  }
0x11: {  	[smem:$0x3FA9] =	sst s9;
	s0 =	simm.s32 @!p0 $0x0  }
0x12: {  	s1 =	sld [smem:$0x3F8F];
	s0 =	simm.s32 @p0 $0x1  }
0x13: {  	[smem:$0x3FAA] =	sst s0;
	s0 =	simm.s32 @!p1 $0x0  }
0x14: {  	s2 =	sld [smem:$0x3F8E];
	s0 =	simm.s32 @p1 $0x1  }
0x15: {  	[smem:$0x3FAB] =	sst s0;
	s0 =	simm.s32 @!p2 $0x0  }
0x16: {  	s3 =	sld [smem:$0x3FDB];
	s0 =	simm.s32 @p2 $0x1  }
0x17: {  	s4 =	simm.s32 $0x1BF5;
	[smem:$0x3FAD] =	sst s0  }
0x18: {  	s0 =	sld [smem:$0x3F90];
	_ =	swait.ge [sflag:s4], $0x0  }
0x19: {  	s7 =	sld [smem:$0x3F91]  }
0x1a: {  	s8 =	sadd.s32 $0xFFFFE003, lr  }
0x1b: {  	s9 =	sadd.s32 $0xFFFFFEF7, lr;
	s5 =	simm.s32 $0xFFFFFFFF;
	p2 =	slt.u32 s8, $0xFFFFF086  }
0x1c: {  	p1 =	slt.u32 s9, $0xF7A;
	s5 =	simm.s32 @!p2 $0x0  }
0x1d: {  	s5 =	simm.s32 @p1 $0x1;
	p0 =	seq.s32 s7, s2  }
0x1e: {  	s7 =	smul.u32 @!p0 $0xF7A, s2;
	p2 =	seq.s32 @!p0 s5, $0x0  }
0x1f: {  	s9 =	smul.u32 $0xF7A, s1;
	s8 =	simm.s32 @!p0 $0x1BF5;
	p2 =	por !p2, p0  }
0x20: {  	[sflag:s8] =	ssyncset.s32 @!p0 $0xFFFFF086;
	s6 =	sadd.s32 @!p0 s3, s7;
	s7 =	simm.s32 @!p0 $0x108  }
0x21: {  	s3 =	sadd.s32 s3, s9;
	s6 =	sadd.s32 @!p0 $0x88, s6;
	s7 =	simm.s32 @p2 $0x1082  }
0x22: {  	[simem:s7], [sflag:s8] =	dma.local @!p0 [hbm:s6], $0xF7A  }
0x23: {  	s9 =	sor.u32 $0xD0000000, s2;
	s6 =	simm.s32 $0x108;
	_ =	swait.ge @!p0 [sflag:s8], $0x0  }
0x24: {  	s3 =	sadd.s32 $0x88, s3;
	s6 =	simm.s32 @!p1 $0x1082;
	[sflag:s4] =	ssyncset.s32 $0xFFFFF086  }
0x25: {  	[simem:s6], [sflag:s4] =	dma.local [hbm:s3], $0xF7A  }
0x26: {  	[smem:$0x3F91] =	sst s1;
	(tag) =	ssettag s2;
	_ =	strace s9  }
0x27: {  	s1 =	sld [smem:$0x3FA1]  }
0x28: {  	s2 =	sld [smem:$0x3FA2]  }
0x29: {  	s4 =	sld [smem:$0x3FA4]  }
0x2a: {  	p0 =	seq.s32 s5, $0x0;
	s5 =	sld [smem:$0x3FA5]  }
0x2b: {  	s6 =	sld [smem:$0x3FA6]  }
0x2c: {  	s7 =	sld [smem:$0x3FA7]  }
0x2d: {  	s3 =	simm.s32 $0x108;
	s8 =	sld [smem:$0x3FA8]  }
0x2e: {  	s3 =	simm.s32 @!p0 $0x1082;
	s9 =	sld [smem:$0x3FA9]  }
0x2f: {  	lr =	sadd.s32 s0, s3;
	s0 =	sld [smem:$0x3FA0]  }
0x30: {  	s3 =	sld [smem:$0x3FA3]  }
0x31: {  	[smem:$0x3FAC] =	sst s10  }
0x32: {  	s10 =	sld [smem:$0x3FAA];
	_ =	sdelay $0x3  }
0x33: {  	p0 =	seq.s32 s10, $0x1;
	s10 =	sld [smem:$0x3FAC];
	_ =	sdelay $0x3  }
0x34: {  	[smem:$0x3FAC] =	sst s10  }
0x35: {  	s10 =	sld [smem:$0x3FAB];
	_ =	sdelay $0x3  }
0x36: {  	p1 =	seq.s32 s10, $0x1;
	s10 =	sld [smem:$0x3FAC];
	_ =	sdelay $0x3  }
0x37: {  	[smem:$0x3FAC] =	sst s10  }
0x38: {  	s10 =	sld [smem:$0x3FAD]  }
0x39: {  	_ = 	snop;
	(pc) =	sbr.ind lr, $3  }
0x3a: {  	_ = 	snop  }
0x3b: {  	_ = 	snop  }
0x3c: {  	p2 =	seq.s32 s10, $0x1;
	s10 =	sld [smem:$0x3FAC]  }
0x3d: {  	_ =	shalt  }
0x3e: {  	_ =	shalt  }
0x3f: {  	_ =	shalt  }
0x40: {  	_ =	shalt  }
0x41: {  	_ =	shalt  }
0x42: {  	_ =	shalt  }
0x43: {  	_ =	shalt  }
0x44: {  	_ =	shalt  }
0x45: {  	_ =	shalt  }
0x46: {  	_ =	shalt  }
0x47: {  	_ =	shalt  }
0x48: {  	_ =	shalt  }
0x49: {  	_ =	shalt  }
0x4a: {  	_ =	shalt  }
0x4b: {  	_ =	shalt  }
0x4c: {  	_ =	shalt  }
0x4d: {  	_ =	shalt  }
0x4e: {  	_ =	shalt  }
0x4f: {  	_ =	shalt  }
0x50: {  	_ =	shalt  }
0x51: {  	_ =	shalt  }
0x52: {  	_ =	shalt  }
0x53: {  	_ =	shalt  }
0x54: {  	_ =	shalt  }
0x55: {  	_ =	shalt  }
0x56: {  	_ =	shalt  }
0x57: {  	_ =	shalt  }
0x58: {  	_ =	shalt  }
0x59: {  	_ =	shalt  }
0x5a: {  	_ =	shalt  }
0x5b: {  	_ =	shalt  }
0x5c: {  	_ =	shalt  }
0x5d: {  	_ =	shalt  }
0x5e: {  	_ =	shalt  }
0x5f: {  	_ =	shalt  }
0x60: {  	_ =	shalt  }
0x61: {  	_ =	shalt  }
0x62: {  	_ =	shalt  }
0x63: {  	_ =	shalt  }
0x64: {  	_ =	shalt  }
0x65: {  	_ =	shalt  }
0x66: {  	_ =	shalt  }
0x67: {  	_ =	shalt  }
0x68: {  	_ =	shalt  }
0x69: {  	_ =	shalt  }
0x6a: {  	_ =	shalt  }
0x6b: {  	_ =	shalt  }
0x6c: {  	_ =	shalt  }
0x6d: {  	_ =	shalt  }
0x6e: {  	_ =	shalt  }
0x6f: {  	_ =	shalt  }
0x70: {  	_ =	shalt  }
0x71: {  	_ =	shalt  }
0x72: {  	_ =	shalt  }
0x73: {  	_ =	shalt  }
0x74: {  	_ =	shalt  }
0x75: {  	_ =	shalt  }
0x76: {  	_ =	shalt  }
0x77: {  	_ =	shalt  }
0x78: {  	_ =	shalt  }
0x79: {  	_ =	shalt  }
0x7a: {  	_ =	shalt  }
0x7b: {  	_ =	shalt  }
0x7c: {  	_ =	shalt  }
0x7d: {  	_ =	shalt  }
0x7e: {  	_ =	shalt  }
0x7f: {  	_ =	shalt  }
0x80: {  	_ =	shalt  }
0x81: {  	_ =	shalt  }
0x82: {  	_ =	shalt  }
0x83: {  	_ =	shalt  }
0x84: {  	_ =	shalt  }
0x85: {  	_ =	shalt  }
0x86: {  	_ =	shalt  }
0x87: {  	_ =	shalt  }
.Lfunc_end0:
.L_simem_size_0:
called_computation_lowered:
.L_overlay_start_0:
0x88: {  	s2 =	sld [smem:$0x3FD9]  }
0x89: {  	s3 =	sld [smem:$0x3FFE];
	_ =	sdelay $0x1  }
0x8a: {  	s1 =	srdreg.scid  }
0x8b: {  	s0 =	sand.u32 $0x1, s1  }
0x8c: {  	s17 =	sshll.u32 s0, $0xA;
	s2 =	sadd.s32 s3, s2  }
0x8d: {  	s2 =	sadd.s32 s2, s17  }
0x8e: {  	[smem:$0x3FB8] =	sst s2  }
0x8f: {  	_ = 	snop  }
0x90: {  	(tm) =	ssettm $0x1  }
0x91: {  	s18 =	sld [smem:$0x3FFB];
	_ =	sdelay $0x3  }
0x92: {  	_ =	strace s18  }
0x93: {  	s2 =	sld [smem:$0x3FFC];
	_ =	sdelay $0x3  }
0x94: {  	_ =	strace s2  }
0x95: {  	s2 =	sld [smem:$0x3FFD];
	_ =	sdelay $0x3  }
0x96: {  	_ =	strace s2  }
0x97: {  	_ =	strace $0x8FFFFFFF  }
0x98: {  	s19 =	sld [smem:$0x3FDB];
	_ =	sdelay $0x1  }
0x99: {  	s20 =	simm.s32 $_scs_section_size  }
0x9a: {  	s4 =	simm.s32 $_size__tile_overlayer_lowered;
	s5 =	simm.s32 $_tile_overlayer_lowered  }
0x9b: {  	s6 =	simm.s32 $0x1BFF;
	s21 =	sshll.u32 s5, $0x1;
	s3 =	sadd.s32 s20, s19  }
0x9c: {  	s22 =	simm.s32 $0x0;
	s4 =	sshll.u32 s4, $0x1;
	s5 =	sadd.s32 s21, s3  }
0x9d: {  	[timem:s22], [sflag:s6] =	dma.local [hbm:s5], s4  }
0x9e: {  	_ =	swait.ge [sflag:s6], s4  }
0x9f: {  	s4 =	ssub.s32 $0x0, s4;
	[sflag:s6] =	ssyncset.done $0x0  }
0xa0: {  	[sflag:s6] =	ssyncadd.s32 s4;
	_ =	sdelay $0x1  }
0xa1: {  	s23 =	simm.s32 $0x1B8B  }
0xa2: {  	_ =	swait.ge [sflag:s23], $0x1  }
0xa3: {  	[sflag:s23] =	ssyncset.done $0x0  }
0xa4: {  	[sflag:s23] =	ssyncadd.s32 $0xFFFFFFFF  }
0xa5: {  	s4 =	sld [smem:$0x0]  }
0xa6: {  	s5 =	sand.u32 $0xFFFFFFFE, s1  }
0xa7: {  	p0 =	sne.s32 s1, s5  }
0xa8: {  	s5 =	sshll.u32 @p0 s5, $0xE  }
0xa9: {  	s5 =	sadd.s32 @p0 $0x11B8D, s5;
	s6 =	sshll.u32 @p0 s4, $0x11  }
0xaa: {  	s5 =	sor.u32 @p0 s6, s5  }
0xab: {  	[sflag:s5] =	ssyncadd.remote.s32 @p0 $0x1;
	_ =	sdelay $0x1  }
0xac: {  	s5 =	simm.s32 @p0 $0x1B8D  }
0xad: {  	_ =	swait.eq @p0 [sflag:s5], $0x1  }
0xae: {  	[sflag:s5] =	ssyncadd.s32 @p0 $0xFFFFFFFF  }
0xaf: {  	s6 =	sshll.u32 @!p0 s1, $0xE  }
0xb0: {  	s6 =	sor.u32 @!p0 $0x4000, s6;
	s5 =	simm.s32 @!p0 $0x1B8D  }
0xb1: {  	s4 =	sshll.u32 @!p0 s4, $0x11;
	s6 =	sadd.s32 @!p0 $0x11B8D, s6;
	_ =	swait.eq @!p0 [sflag:s5], $0x1  }
0xb2: {  	s4 =	sor.u32 @!p0 s4, s6;
	[sflag:s5] =	ssyncadd.s32 @!p0 $0xFFFFFFFF  }
0xb3: {  	s25 =	simm.s32 $0x1B8E;
	s24 =	sld [smem:$0x3FFE];
	[sflag:s4] =	ssyncadd.remote.s32 @!p0 $0x1  }
0xb4: {  	s26 =	simm.s32 $execute0_lowered;
	[smem:$0x3FD2] =	sst s25  }
0xb5: {  	s5 =	sshll.u32 s26, $0x1;
	_ =	strace $0x80000050;
	[dreg:$0x1] =	wrdreg $0xFFFFFFFF  }
0xb6: {  	s28 =	simm.s32 $_size_execute0_lowered;
	s3 =	sadd.s32 s3, s5;
	[dreg:$0x0] =	wrdreg $0x0  }
0xb7: {  	s5 =	sshll.u32 s28, $0x1;
	[dreg:$0x2] =	wrdreg s3  }
0xb8: {  	[dreg:$0x3] =	wrdreg s5  }
0xb9: {  	[dreg:$0x4] =	wrdreg $0xC0  }
0xba: {  	_ =	task [dreg:s22], $0x5FFFF  }
0xbb: {  	[dreg:$0x1] =	wrdreg $0xFFFFFFFF  }
0xbc: {  	[dreg:$0x0] =	wrdreg $0x60  }
0xbd: {  	[dreg:$0x2] =	wrdreg s24  }
0xbe: {  	[dreg:$0x3] =	wrdreg $0x9  }
0xbf: {  	_ =	task.clear_ibuf [dreg:s22], $0x4FFFF;
	_ =	strace $0x90000050  }
0xc0: {  	s29 =	simm.s32 $0x9;
	_ =	strace $0x80000059  }
0xc1: {  	_ =	swait.ge [sflag:s29], $0x1  }
0xc2: {  	[sflag:s29] =	ssyncadd.s32 $0xFFFFFFFF  }
0xc3: {  	_ =	strace $0x90000059  }
0xc4: {  	_ =	sfence  }
0xc5: {  	s30 =	sld [smem:$0x0];
	_ =	sdelay $0x2  }
0xc6: {  	s31 =	sshll.u32 s1, $0xD;
	s1 =	sshrl.u32 s1, $0x2  }
0xc7: {  	s4 =	sand.u32 $0x4000, s31;
	s1 =	sadd.s32 s1, s30  }
0xc8: {  	s0 =	sor.u32 s4, s0;
	s1 =	sshll.u32 s1, $0x11  }
0xc9: {  	s0 =	sor.u32 s1, s0  }
0xca: {  	s0 =	sadd.s32 $0x8F2B, s0  }
0xcb: {  	[sflag:s0] =	ssyncadd.remote.s32 $0x1  }
0xcc: {  	_ =	sfence.sel $0xFFFF  }
0xcd: {  	[dreg:$0x0] =	wrdreg $0xFFFFFFFF;
	(pc) =	sbr.abs _section_cstart, $3  }
0xce: {  	[dreg:$0x1] =	wrdreg $0xFFFFFFFF  }
0xcf: {  	_ =	task.clear_ibuf [dreg:s22], $0x2FFFF;
	_ =	strace $0x9FFFFFFF  }
0xd0: {  	(tm) =	ssettm $0x7FFFFFFF  }
0xd1: {  	_ =	shalt  }
tec
execute0_lowered:
.L_overlay_start_1:
0x0: {  	(tag) =	ssettag $0x1  }
0x1: {  	s7 =	rddreg [dreg:$0x0]  }
0x2: {  	s0 =	rddreg [dreg:$0x1];
	s1 =	simm.s32 $0x0;
	s3 =	srdreg.scid  }
0x3: {  	s9 =	simm.s32 $0x5;
	s10 =	simm.s32 $0x4;
	s11 =	simm.s32 $0x0  }
0x4: {  	[smem:$0x7FF] =	sst s1;
	s2 =	sadd.s32 $0x3600, s7;
	s4 =	sadd.s32 $0x383600, s7  }
0x5: {  	s5 =	sadd.s32 $0x385600, s7;
	s6 =	sand.u32 $0x1, s3;
	s3 =	stileid.u32  }
0x6: {  	_ =	strace $0x80000051;
	s8 =	ssub.s32 $0x2, s6;
	s6 =	sshll.u32 s6, $0x4  }
0x7: {  	v2 =	vlaneseq.u32;
	[dreg:$0x2] =	wrdreg s5;
	s31 =	sshrl.u32 s8, $0x1;
	s6 =	sor.u32 s3, s6  }
0x8: {  	vm0 =	vmmov $0xffff;
	vm1 =	vmmov $0xff;
	v1 =	vshrl.u32 v2, $0x3;
	s8 =	ssub.s32 s8, s31;
	s5 =	sshll.u32 s6, $0x4;
	s6 =	sshll.u32 s6, $0x8  }
0x9: {  	s7 =	sadd.s32 $0x3700, s7;
	v0 =	vand.u32 $0x7, v2;
	v2 =	vor.u32 $0x8, v2;
	v1 =	vmul.u32 $0x8, v1;
	s6 =	sadd.s32 s4, s6;
	s8 =	smax.u32 s8, $0x1  }
.LBB2_1:
0xa: {  	_ =	strace $0x80000052;
	s12 =	simm.s32 $0x10  }
0xb: {  	s13 =	simm.s32 $0x0;
	s14 =	simm.s32 $0x0;
	s15 =	simm.s32 $0x0  }
0xc: {  	[tilespmem:s1], [sflag:$0x1] =	stream.linear.gather [hbm4b:s6+s1], $0x80, $0x200038;
	[tilespmem:$0x18100] =	vst v63  }
0xd: {  	s16 =	simm.s32 $0x0;
	s17 =	simm.s32 $0x1;
	_ =	strace $0x90000052  }
.LBB2_2:
0xe: {  	s18 =	smov.u32 s13;
	s13 =	sadd.s32 $0x1, s13  }
0xf: {  	p0 =	seq.s32 s13, $0x10  }
0x10: {  	s13 =	simm.s32 @p0 $0x0  }
0x11: {  	p6 =	sne.s32 s12, $0x1;
	p1 =	sne.s32 s18, s13  }
0x12: {  	p0 =	por !p6, !p1  }
0x13: {  	p0 =	por !p0, !p0  }
0x14: {  	s19 =	sadd.s32 @p0 s5, s13  }
0x15: {  	s20 =	sand.u32 @p0 $0x1, s17;
	s19 =	sshll.u32 @p0 s19, $0x4  }
0x16: {  	_ =	strace @p0 $0x80000053;
	s22 =	simm.s32 @p0 $0x0;
	s19 =	sand.u32 @p0 $0x1FFFFFF0, s19  }
0x17: {  	s21 =	sshll.u32 @p0 s20, $0x7;
	s20 =	sadd.s32 @p0 $0x1, s20;
	s19 =	sadd.s32 @p0 s4, s19  }
0x18: {  	[tilespmem:s21], [sflag:s20] =	stream.linear.gather @p0 [hbm4b:s19+s22], $0x80, $0x200038;
	[tilespmem:$0x18100] =	vst v63  }
0x19: {  	s28 =	sand.u32 $0x1, s16;
	_ =	strace @p0 $0x90000053  }
0x1a: {  	s19 =	sadd.s32 $0x1, s28;
	_ =	strace $0x80000054  }
0x1b: {  	_ =	swait.ge [sflag:s19], $0x80  }
0x1c: {  	[sflag:s19] =	ssyncset.done $0x0  }
0x1d: {  	[sflag:s19] =	ssyncadd.s32 $0xFFFFFF80  }
0x1e: {  	s29 =	sshll.u32 s16, $0x7;
	_ =	strace $0x90000054  }
0x1f: {  	s22 =	sand.u32 $0x80, s29;
	_ =	strace $0x80000055  }
0x20: {  	v3 =	vld [tilespmem:s22+$0x0];
	_ =	sdelay $0x4  }
0x21: {  	v4 =	vshrl.u32 v3, $0x3  }
0x22: {  	v4 =	vmul.u32 $0x18, v4  }
0x23: {  	v3 =	vand.u32 $0x7, v3  }
0x24: {  	v3 =	vor.u32 v3, v4  }
0x25: {  	v4 =	vperm.xlane v3, v0;
	_ =	sdelay $0x1  }
0x26: {  	s19 =	sand.u32 $0x1, s15;
	v4 =	vadd.s32 v1, v4  }
0x27: {  	s30 =	smul.u32 $0x30000, s19  }
0x28: {  	v3 =	vperm.xlane v3, v2  }
0x29: {  	s21 =	sshrl.u32 s30, $0x2  }
0x2a: {  	s20 =	sor.u32 $0x100, s21;
	v3 =	vadd.s32 v1, v3  }
0x2b: {  	[tilespmem:s20], [sflag:$0x5] =	stream.indirect_vreg.gather [hbm4b:s2+s1], $0x80, v4, vm0, $0x2000b8;
	[tilespmem:$0x18100] =	vst v63  }
0x2c: {  	s23 =	sor.u32 $0x900, s21  }
0x2d: {  	[tilespmem:s23], [sflag:$0x5] =	stream.indirect_vreg.gather [hbm4b:s7+s1], $0x80, v4, vm1, $0x2000b8;
	[tilespmem:$0x18100] =	vst v63  }
0x2e: {  	s31 =	sor.u32 $0xD00, s21  }
0x2f: {  	[tilespmem:s31], [sflag:$0x5] =	stream.indirect_vreg.gather [hbm4b:s2+s1], $0x80, v3, vm0, $0x2000b8;
	[tilespmem:$0x18100] =	vst v63  }
0x30: {  	s24 =	sor.u32 $0x1500, s21  }
0x31: {  	[tilespmem:s24], [sflag:$0x5] =	stream.indirect_vreg.gather [hbm4b:s7+s1], $0x80, v3, vm1, $0x2000b8;
	[tilespmem:$0x18100] =	vst v63  }
0x32: {  	v3 =	vld [tilespmem:s22+$0x10];
	_ =	sdelay $0x4  }
0x33: {  	v57 =	vshrl.u32 v3, $0x3  }
0x34: {  	v4 =	vmul.u32 $0x18, v57  }
0x35: {  	v3 =	vand.u32 $0x7, v3  }
0x36: {  	v3 =	vor.u32 v3, v4  }
0x37: {  	v4 =	vperm.xlane v3, v0;
	_ =	sdelay $0x1  }
0x38: {  	v4 =	vadd.s32 v1, v4;
	_ =	sdelay $0x1  }
0x39: {  	v3 =	vperm.xlane v3, v2;
	_ =	sdelay $0x1  }
0x3a: {  	s25 =	sor.u32 $0x1900, s21;
	v3 =	vadd.s32 v1, v3  }
0x3b: {  	[tilespmem:s25], [sflag:$0x5] =	stream.indirect_vreg.gather [hbm4b:s2+s1], $0x80, v4, vm0, $0x2000b8;
	[tilespmem:$0x18100] =	vst v63  }
0x3c: {  	s26 =	sor.u32 $0x2100, s21  }
0x3d: {  	[tilespmem:s26], [sflag:$0x5] =	stream.indirect_vreg.gather [hbm4b:s7+s1], $0x80, v4, vm1, $0x2000b8;
	[tilespmem:$0x18100] =	vst v63  }
0x3e: {  	s28 =	sor.u32 $0x2500, s21  }
0x3f: {  	[tilespmem:s28], [sflag:$0x5] =	stream.indirect_vreg.gather [hbm4b:s2+s1], $0x80, v3, vm0, $0x2000b8;
	[tilespmem:$0x18100] =	vst v63  }
0x40: {  	s29 =	sor.u32 $0x2D00, s21  }
0x41: {  	[tilespmem:s29], [sflag:$0x5] =	stream.indirect_vreg.gather [hbm4b:s7+s1], $0x80, v3, vm1, $0x2000b8;
	[tilespmem:$0x18100] =	vst v63  }
0x42: {  	v3 =	vld [tilespmem:s22+$0x20];
	_ =	sdelay $0x4  }
0x43: {  	v58 =	vshrl.u32 v3, $0x3  }
0x44: {  	v4 =	vmul.u32 $0x18, v58  }
0x45: {  	v3 =	vand.u32 $0x7, v3  }
0x46: {  	v3 =	vor.u32 v3, v4  }
0x47: {  	v4 =	vperm.xlane v3, v0;
	_ =	sdelay $0x1  }
0x48: {  	v4 =	vadd.s32 v1, v4;
	_ =	sdelay $0x1  }
0x49: {  	v3 =	vperm.xlane v3, v2;
	_ =	sdelay $0x1  }
0x4a: {  	s30 =	sor.u32 $0x3100, s21;
	v3 =	vadd.s32 v1, v3  }
0x4b: {  	[tilespmem:s30], [sflag:$0x5] =	stream.indirect_vreg.gather [hbm4b:s2+s1], $0x80, v4, vm0, $0x2000b8;
	[tilespmem:$0x18100] =	vst v63  }
0x4c: {  	s31 =	sor.u32 $0x3900, s21  }
0x4d: {  	[tilespmem:s31], [sflag:$0x5] =	stream.indirect_vreg.gather [hbm4b:s7+s1], $0x80, v4, vm1, $0x2000b8;
	[tilespmem:$0x18100] =	vst v63  }
0x4e: {  	s24 =	sor.u32 $0x3D00, s21  }
0x4f: {  	[tilespmem:s24], [sflag:$0x5] =	stream.indirect_vreg.gather [hbm4b:s2+s1], $0x80, v3, vm0, $0x2000b8;
	[tilespmem:$0x18100] =	vst v63  }
0x50: {  	s25 =	sadd.s32 $0x4500, s21  }
0x51: {  	[tilespmem:s25], [sflag:$0x5] =	stream.indirect_vreg.gather [hbm4b:s7+s1], $0x80, v3, vm1, $0x2000b8;
	[tilespmem:$0x18100] =	vst v63  }
0x52: {  	v3 =	vld [tilespmem:s22+$0x30];
	_ =	sdelay $0x4  }
0x53: {  	v59 =	vshrl.u32 v3, $0x3  }
0x54: {  	v4 =	vmul.u32 $0x18, v59  }
0x55: {  	v3 =	vand.u32 $0x7, v3  }
0x56: {  	v3 =	vor.u32 v3, v4  }
0x57: {  	v4 =	vperm.xlane v3, v0;
	_ =	sdelay $0x1  }
0x58: {  	v4 =	vadd.s32 v1, v4;
	_ =	sdelay $0x1  }
0x59: {  	v3 =	vperm.xlane v3, v2;
	_ =	sdelay $0x1  }
0x5a: {  	s26 =	sadd.s32 $0x4900, s21;
	v3 =	vadd.s32 v1, v3  }
0x5b: {  	[tilespmem:s26], [sflag:$0x5] =	stream.indirect_vreg.gather [hbm4b:s2+s1], $0x80, v4, vm0, $0x2000b8;
	[tilespmem:$0x18100] =	vst v63  }
0x5c: {  	s28 =	sadd.s32 $0x5100, s21  }
0x5d: {  	[tilespmem:s28], [sflag:$0x5] =	stream.indirect_vreg.gather [hbm4b:s7+s1], $0x80, v4, vm1, $0x2000b8;
	[tilespmem:$0x18100] =	vst v63  }
0x5e: {  	s29 =	sadd.s32 $0x5500, s21  }
0x5f: {  	[tilespmem:s29], [sflag:$0x5] =	stream.indirect_vreg.gather [hbm4b:s2+s1], $0x80, v3, vm0, $0x2000b8;
	[tilespmem:$0x18100] =	vst v63  }
0x60: {  	s30 =	sadd.s32 $0x5D00, s21  }
0x61: {  	[tilespmem:s30], [sflag:$0x5] =	stream.indirect_vreg.gather [hbm4b:s7+s1], $0x80, v3, vm1, $0x2000b8;
	[tilespmem:$0x18100] =	vst v63  }
0x62: {  	v3 =	vld [tilespmem:s22+$0x40];
	_ =	sdelay $0x4  }
0x63: {  	v60 =	vshrl.u32 v3, $0x3  }
0x64: {  	v4 =	vmul.u32 $0x18, v60  }
0x65: {  	v3 =	vand.u32 $0x7, v3  }
0x66: {  	v3 =	vor.u32 v3, v4  }
0x67: {  	v4 =	vperm.xlane v3, v0;
	_ =	sdelay $0x1  }
0x68: {  	v4 =	vadd.s32 v1, v4;
	_ =	sdelay $0x1  }
0x69: {  	v3 =	vperm.xlane v3, v2;
	_ =	sdelay $0x1  }
0x6a: {  	s31 =	sadd.s32 $0x6100, s21;
	v3 =	vadd.s32 v1, v3  }
0x6b: {  	[tilespmem:s31], [sflag:$0x5] =	stream.indirect_vreg.gather [hbm4b:s2+s1], $0x80, v4, vm0, $0x2000b8;
	[tilespmem:$0x18100] =	vst v63  }
0x6c: {  	s24 =	sadd.s32 $0x6900, s21  }
0x6d: {  	[tilespmem:s24], [sflag:$0x5] =	stream.indirect_vreg.gather [hbm4b:s7+s1], $0x80, v4, vm1, $0x2000b8;
	[tilespmem:$0x18100] =	vst v63  }
0x6e: {  	s25 =	sadd.s32 $0x6D00, s21  }
0x6f: {  	[tilespmem:s25], [sflag:$0x5] =	stream.indirect_vreg.gather [hbm4b:s2+s1], $0x80, v3, vm0, $0x2000b8;
	[tilespmem:$0x18100] =	vst v63  }
0x70: {  	s26 =	sadd.s32 $0x7500, s21  }
0x71: {  	[tilespmem:s26], [sflag:$0x5] =	stream.indirect_vreg.gather [hbm4b:s7+s1], $0x80, v3, vm1, $0x2000b8;
	[tilespmem:$0x18100] =	vst v63  }
0x72: {  	v3 =	vld [tilespmem:s22+$0x50];
	_ =	sdelay $0x4  }
0x73: {  	v61 =	vshrl.u32 v3, $0x3  }
0x74: {  	v4 =	vmul.u32 $0x18, v61  }
0x75: {  	v3 =	vand.u32 $0x7, v3  }
0x76: {  	v3 =	vor.u32 v3, v4  }
0x77: {  	v4 =	vperm.xlane v3, v0;
	_ =	sdelay $0x1  }
0x78: {  	v4 =	vadd.s32 v1, v4;
	_ =	sdelay $0x1  }
0x79: {  	v3 =	vperm.xlane v3, v2;
	_ =	sdelay $0x1  }
0x7a: {  	s28 =	sadd.s32 $0x7900, s21;
	v3 =	vadd.s32 v1, v3  }
0x7b: {  	[tilespmem:s28], [sflag:$0x5] =	stream.indirect_vreg.gather [hbm4b:s2+s1], $0x80, v4, vm0, $0x2000b8;
	[tilespmem:$0x18100] =	vst v63  }
0x7c: {  	s29 =	sadd.s32 $0x8100, s21  }
0x7d: {  	[tilespmem:s29], [sflag:$0x5] =	stream.indirect_vreg.gather [hbm4b:s7+s1], $0x80, v4, vm1, $0x2000b8;
	[tilespmem:$0x18100] =	vst v63  }
0x7e: {  	s30 =	sadd.s32 $0x8500, s21  }
0x7f: {  	[tilespmem:s30], [sflag:$0x5] =	stream.indirect_vreg.gather [hbm4b:s2+s1], $0x80, v3, vm0, $0x2000b8;
	[tilespmem:$0x18100] =	vst v63  }
0x80: {  	s31 =	sadd.s32 $0x8D00, s21  }
0x81: {  	[tilespmem:s31], [sflag:$0x5] =	stream.indirect_vreg.gather [hbm4b:s7+s1], $0x80, v3, vm1, $0x2000b8;
	[tilespmem:$0x18100] =	vst v63  }
0x82: {  	v3 =	vld [tilespmem:s22+$0x60];
	_ =	sdelay $0x4  }
0x83: {  	v62 =	vshrl.u32 v3, $0x3  }
0x84: {  	v4 =	vmul.u32 $0x18, v62  }
0x85: {  	v3 =	vand.u32 $0x7, v3  }
0x86: {  	v3 =	vor.u32 v3, v4  }
0x87: {  	v4 =	vperm.xlane v3, v0;
	_ =	sdelay $0x1  }
0x88: {  	v4 =	vadd.s32 v1, v4;
	_ =	sdelay $0x1  }
0x89: {  	v3 =	vperm.xlane v3, v2;
	_ =	sdelay $0x1  }
0x8a: {  	s24 =	sadd.s32 $0x9100, s21;
	v3 =	vadd.s32 v1, v3  }
0x8b: {  	[tilespmem:s24], [sflag:$0x5] =	stream.indirect_vreg.gather [hbm4b:s2+s1], $0x80, v4, vm0, $0x2000b8;
	[tilespmem:$0x18100] =	vst v63  }
0x8c: {  	s25 =	sadd.s32 $0x9900, s21  }
0x8d: {  	[tilespmem:s25], [sflag:$0x5] =	stream.indirect_vreg.gather [hbm4b:s7+s1], $0x80, v4, vm1, $0x2000b8;
	[tilespmem:$0x18100] =	vst v63  }
0x8e: {  	s26 =	sadd.s32 $0x9D00, s21  }
0x8f: {  	[tilespmem:s26], [sflag:$0x5] =	stream.indirect_vreg.gather [hbm4b:s2+s1], $0x80, v3, vm0, $0x2000b8;
	[tilespmem:$0x18100] =	vst v63  }
0x90: {  	s28 =	sadd.s32 $0xA500, s21  }
0x91: {  	[tilespmem:s28], [sflag:$0x5] =	stream.indirect_vreg.gather [hbm4b:s7+s1], $0x80, v3, vm1, $0x2000b8;
	[tilespmem:$0x18100] =	vst v63  }
0x92: {  	v3 =	vld [tilespmem:s22+$0x70];
	_ =	sdelay $0x4  }
0x93: {  	v63 =	vshrl.u32 v3, $0x3  }
0x94: {  	v4 =	vmul.u32 $0x18, v63  }
0x95: {  	v3 =	vand.u32 $0x7, v3  }
0x96: {  	v3 =	vor.u32 v3, v4  }
0x97: {  	v4 =	vperm.xlane v3, v0;
	_ =	sdelay $0x1  }
0x98: {  	v4 =	vadd.s32 v1, v4;
	_ =	sdelay $0x1  }
0x99: {  	v3 =	vperm.xlane v3, v2;
	_ =	sdelay $0x1  }
0x9a: {  	s29 =	sadd.s32 $0xA900, s21;
	v3 =	vadd.s32 v1, v3  }
0x9b: {  	[tilespmem:s29], [sflag:$0x5] =	stream.indirect_vreg.gather [hbm4b:s2+s1], $0x80, v4, vm0, $0x2000b8;
	[tilespmem:$0x18100] =	vst v63  }
0x9c: {  	s30 =	sadd.s32 $0xB100, s21  }
0x9d: {  	[tilespmem:s30], [sflag:$0x5] =	stream.indirect_vreg.gather [hbm4b:s7+s1], $0x80, v4, vm1, $0x2000b8;
	[tilespmem:$0x18100] =	vst v63  }
0x9e: {  	s31 =	sadd.s32 $0xB500, s21  }
0x9f: {  	[tilespmem:s31], [sflag:$0x5] =	stream.indirect_vreg.gather [hbm4b:s2+s1], $0x80, v3, vm0, $0x2000b8;
	[tilespmem:$0x18100] =	vst v63  }
0xa0: {  	s21 =	sadd.s32 $0xBD00, s21  }
0xa1: {  	[tilespmem:s21], [sflag:$0x5] =	stream.indirect_vreg.gather [hbm4b:s7+s1], $0x80, v3, vm1, $0x2000b8;
	[tilespmem:$0x18100] =	vst v63  }
0xa2: {  	_ =	swait.ge [sflag:s9], $0xC000  }
0xa3: {  	[sflag:s9] =	ssyncset.done $0x0  }
0xa4: {  	p2 =	seq.s32 s12, $0x1;
	[sflag:s9] =	ssyncadd.s32 $0xFFFF4000  }
0xa5: {  	s18 =	sadd.s32 s5, s18;
	p1 =	por p2, p1;
	_ =	strace $0x90000055  }
0xa6: {  	s18 =	smul.u32 @p1 $0x1800, s18;
	s22 =	simm.s32 $0x1;
	_ =	strace @p1 $0x80000056  }
0xa7: {  	s19 =	sadd.s32 @p1 $0x3, s19;
	s22 =	simm.s32 @!p0 $0x0;
	s21 =	rddreg [dreg:$0x2]  }
0xa8: {  	p0 =	seq.s32 s12, $0x10;
	s18 =	sadd.s32 @p1 s21, s18;
	s21 =	simm.s32 @p1 $0x0  }
0xa9: {  	[hbm4b:s18+s21] =	stream.linear.scatter @p1 [tilespmem:s20], [sflag:s19], $0xC000, $0x200038;
	[tilespmem:$0x18100] =	vst v63  }
0xaa: {  	s18 =	simm.s32 $0x1;
	s20 =	simm.s32 $0x1;
	_ =	strace @p1 $0x90000056  }
0xab: {  	s18 =	simm.s32 @!p1 $0x0;
	p1 =	sne.s32 s12, $0x10;
	s12 =	sadd.s32 $0xFFFFFFFF, s12  }
0xac: {  	s19 =	sand.u32 @!p0 $0x1, s14;
	s20 =	simm.s32 @!p1 $0x0;
	p1 =	sne.s32 s12, $0x0  }
.Ltmp0:
0xad: {  	s19 =	sadd.s32 @!p0 $0x3, s19;
	_ =	strace @!p0 $0x80000057;
	(pc) =	sbr.rel @p1 .LBB2_2-.Ltmp0, $4  }
0xae: {  	_ =	swait.ge @!p0 [sflag:s19], $0xC000  }
0xaf: {  	[sflag:s19] =	ssyncset.done @!p0 $0x0  }
0xb0: {  	s17 =	sadd.s32 s22, s17;
	s15 =	sadd.s32 s18, s15;
	[sflag:s19] =	ssyncadd.s32 @!p0 $0xFFFF4000  }
0xb1: {  	s16 =	sadd.s32 s18, s16;
	s14 =	sadd.s32 s20, s14;
	_ =	strace @!p0 $0x90000057  }
0xb2: {  	s11 =	sadd.s32 $0x1, s11  }
0xb3: {  	p0 =	sne.s32 s11, s8  }
.Ltmp1:
0xb4: {  	_ =	strace $0x80000058;
	(pc) =	sbr.rel @p0 .LBB2_1-.Ltmp1, $4  }
0xb5: {  	_ =	swait.ge [sflag:s10], $0xC000  }
0xb6: {  	[sflag:s10] =	ssyncset.done $0x0  }
0xb7: {  	[sflag:s10] =	ssyncadd.s32 $0xFFFF4000  }
0xb8: {  	_ =	strace $0x90000058  }
0xb9: {  	_ =	sfence.sel $0x180000  }
0xba: {  	[bflag:$0x0] =	sbarrier.arrive $0xFFFF  }
0xbb: {  	p0 =	sne.s32 s3, $0x0;
	_ =	strace $0x90000051  }
0xbc: {  	s0 =	sadd.s32 @!p0 $0x100000, s0;
	[bflag:$0x2] =	sbarrier.arrive $0xFFFF  }
0xbd: {  	[sflag:s0] =	ssyncadd.tile.s32 @!p0 $0x1;
	_ =	shalt  }
.Lfunc_end2:
_tile_overlayer_lowered:
.L_overlay_start_2:
0xbe: {  	(tag) =	ssettag $0x2  }
0xbf: {  	s0 =	rddreg [dreg:$0x0];
	s2 =	stileid.u32  }
0xc0: {  	s1 =	rddreg [dreg:$0x1];
	p0 =	sne.s32 s2, $0x0  }
0xc1: {  	s3 =	rddreg [dreg:$0x2];
	[bflag:$0x3] =	sbarrier.arrive $0xFFFF;
	s2 =	simm.s32 @!p0 $0x1C01  }
0xc2: {  	[timem:s3], [sflag:s2] =	dma.local @!p0 [hbm:s0], s1  }
0xc3: {  	s0 =	simm.s32 @!p0 $0x1  }
0xc4: {  	_ =	swait.ge @!p0 [sflag:s0], s1  }
0xc5: {  	s1 =	ssub.s32 @!p0 $0x0, s1;
	[sflag:s0] =	ssyncset.done @!p0 $0x0  }
0xc6: {  	[sflag:s0] =	ssyncadd.s32 @!p0 s1  }
0xc7: {  	[bflag:$0x3] =	sbarrier.arrive $0xFFFF  }
0xc8: {  	_ =	shalt  }

</sc_bundles>
